<compile_context>
chip_gen: v7x
topology: tpu7x:2x2x1
jax: 0.10.2.dev20260603
libtpu: 0.0.44.dev20260713+nightly
codegen_flags: <defaults>
</compile_context>

<pallas_src>
import functools

import jax
import jax.numpy as jnp
from jax import lax
from jax.experimental import pallas as pl
from jax.experimental.pallas import tpu as pltpu
from jax.experimental.pallas import tpu_sc as plsc

R = 8
NBUF = 8
UNROLL = 8


def kernel(x, pos_emb):
    B, T, C = x.shape
    info = plsc.get_sparse_core_info()
    NW = info.num_cores * info.num_subcores
    tw = T // NW
    nchunks = tw // R
    nitems = nchunks * B
    CPG = C // 16

    mesh = plsc.VectorSubcoreMesh(core_axis_name="c", subcore_axis_name="s")

    @functools.partial(
        pl.kernel,
        mesh=mesh,
        out_type=jax.ShapeDtypeStruct((B, T, C), jnp.float32),
        scratch_types=[
            pltpu.VMEM((NBUF, R, C), jnp.float32),
            pltpu.VMEM((2, R, C), jnp.float32),
            pltpu.SemaphoreType.DMA,
            pltpu.SemaphoreType.DMA,
            pltpu.SemaphoreType.DMA,
        ],
    )
    def k(x_hbm, pe_hbm, out_hbm, xb, peb, xsem, pesem, osem):
        wid = lax.axis_index("s") * info.num_cores + lax.axis_index("c")
        t0 = wid * tw

        def trow(item):
            return t0 + (item // B) * R

        pltpu.async_copy(pe_hbm.at[pl.ds(t0, R)], peb.at[0], pesem)
        pltpu.async_copy(pe_hbm.at[pl.ds(t0 + R, R)], peb.at[1], pesem)
        pltpu.async_copy(x_hbm.at[0, pl.ds(t0, R)], xb.at[0], xsem)
        pltpu.async_copy(x_hbm.at[1, pl.ds(t0, R)], xb.at[1], xsem)
        pltpu.async_copy(x_hbm.at[2, pl.ds(t0, R)], xb.at[2], xsem)

        def body(kk, _):
            i = kk // B
            b = kk % B
            slot = kk % NBUF
            pslot = i % 2

            @pl.when(kk >= 5)
            def _():
                pltpu.make_async_copy(
                    xb.at[(kk - 5) % NBUF],
                    out_hbm.at[(kk - 5) % B, pl.ds(trow(kk - 5), R)],
                    osem,
                ).wait()

            @pl.when(kk + 3 < nitems)
            def _():
                pltpu.async_copy(
                    x_hbm.at[(kk + 3) % B, pl.ds(trow(kk + 3), R)],
                    xb.at[(kk + 3) % NBUF],
                    xsem,
                )

            pltpu.make_async_copy(
                x_hbm.at[b, pl.ds(trow(kk), R)], xb.at[slot], xsem
            ).wait()

            @pl.when(b == 0)
            def _():
                pltpu.make_async_copy(
                    pe_hbm.at[pl.ds(trow(kk), R)], peb.at[pslot], pesem
                ).wait()

            @plsc.parallel_loop(0, R * CPG, unroll=UNROLL)
            def _(g):
                row = g // CPG
                col = (g % CPG) * 16
                plsc.addupdate(
                    xb.at[slot, row, pl.ds(col, 16)],
                    peb[pslot, row, pl.ds(col, 16)],
                )

            @pl.when((b == B - 1) & (i + 2 < nchunks))
            def _():
                pltpu.async_copy(
                    pe_hbm.at[pl.ds(t0 + (i + 2) * R, R)], peb.at[pslot], pesem
                )

            pltpu.async_copy(
                xb.at[slot], out_hbm.at[b, pl.ds(trow(kk), R)], osem
            )
            return 0

        lax.fori_loop(0, nitems, body, 0)
        for d in (5, 4, 3, 2, 1):
            pltpu.make_async_copy(
                xb.at[(nitems - d) % NBUF],
                out_hbm.at[(nitems - d) % B, pl.ds(trow(nitems - d), R)],
                osem,
            ).wait()

    return k(x, pos_emb[:T])

# --- scband reference (transcript-rebuilt; emitter-appended) ---
"""Pipeline reference for scband-positional-encoding-54881092108363 (READ-ONLY COPY).

The authoritative reference and input builder live on the scoring server;
editing this copy changes nothing except your own understanding.
"""

import jax, jax.numpy as jnp
import numpy as np

MAX_POS = 8192
HIDDEN = 1024
B, T, C = 4, 8192, 1024

def setup_inputs(seed: int = 0) -> dict:
    key = jax.random.key(seed)
    kx, kw = jax.random.split(key)
    x = jax.random.normal(kx, (B, T, C), dtype=jnp.float32)
    # nn.Embedding weight: [max_position_embeddings, hidden_dim]
    pos_emb = jax.random.normal(kw, (MAX_POS, HIDDEN), dtype=jnp.float32) * 0.02
    return {"x": x, "pos_emb": pos_emb}

def reference(x, pos_emb):
    # position_ids = arange(max_position_embeddings)[None, :seq_length]
    seq_length = x.shape[1]
    position_ids = jnp.arange(seq_length)  # [T]
    # embedding lookup -> [T, C], broadcast over batch via [1, T, C]
    pe = jnp.take(pos_emb, position_ids, axis=0)[None, :, :]
    out = x + pe
    # dropout is identity at inference (eval mode)
    return out

if __name__ == "__main__":
    import jax
    _d = setup_inputs()
    print(jax.jit(kernel)(*tuple(_d.values())))

</pallas_src>

<mosaic_0001>
#map = affine_map<(d0, d1) -> (0, 0, 0)>
#map1 = affine_map<(d0, d1) -> (0, 0)>
module attributes {stable_mosaic.version = 14 : i64} {
  func.func @k(%arg0: i32, %arg1: i32, %arg2: memref<4x8192x1024xf32, #tpu.memory_space<hbm>>, %arg3: memref<8192x1024xf32, #tpu.memory_space<hbm>>, %arg4: memref<4x8192x1024xf32, #tpu.memory_space<hbm>>, %arg5: memref<8x8x1024xf32, #tpu.memory_space<vmem>>, %arg6: memref<2x8x1024xf32, #tpu.memory_space<vmem>>, %arg7: memref<!tpu.dma_semaphore, #tpu.memory_space<semaphore_mem>>, %arg8: memref<!tpu.dma_semaphore, #tpu.memory_space<semaphore_mem>>, %arg9: memref<!tpu.dma_semaphore, #tpu.memory_space<semaphore_mem>>) attributes {dimension_semantics = [#tpu.dimension_semantics<core_parallel>, #tpu.dimension_semantics<subcore_parallel>], iteration_bounds = array<i64: 2, 16>, scalar_prefetch = 0 : i64, scratch_operands = 5 : i64, tpu.core_type = #tpu.core_type<sc_vector_subcore>, window_params = [{transform_indices = #map}, {transform_indices = #map1}, {transform_indices = #map}]} {
    %mul3A = arith.constant 2 : i32
    %mul3A_0 = arith.muli %arg1, %mul3A : i32
    %add3A = arith.addi %mul3A_0, %arg0 : i32
    %mul3A_1 = arith.constant 256 : i32
    %mul3A_2 = arith.muli %add3A, %mul3A_1 : i32
    %dma_start3A = arith.constant 0 : i32
    %dma_start3A_3 = arith.constant 0 : i32
    %dma_start3A_4 = arith.constant 0 : i32
    %dma_start3A_5 = tpu.memref_slice %arg6[%dma_start3A, %dma_start3A_3, %dma_start3A_4] : memref<2x8x1024xf32, #tpu.memory_space<vmem>> -> memref<1x8x1024xf32, #tpu.memory_space<vmem>>
    %dma_start3A_6 = tpu.memref_squeeze %dma_start3A_5 : memref<1x8x1024xf32, #tpu.memory_space<vmem>> -> memref<8x1024xf32, #tpu.memory_space<vmem>>
    %dma_start3A_7 = arith.constant 0 : i32
    %dma_start3A_8 = tpu.memref_slice %arg3[%mul3A_2, %dma_start3A_7] : memref<8192x1024xf32, #tpu.memory_space<hbm>> -> memref<8x1024xf32, #tpu.memory_space<hbm>>
    %dma_start3A_9 = arith.constant 0 : i32
    %dma_start3A_10 = arith.constant 0 : i32
    %dma_start3A_11 = tpu.memref_slice %arg6[%dma_start3A, %dma_start3A_9, %dma_start3A_10] : memref<2x8x1024xf32, #tpu.memory_space<vmem>> -> memref<1x8x1024xf32, #tpu.memory_space<vmem>>
    %dma_start3A_12 = tpu.memref_squeeze %dma_start3A_11 : memref<1x8x1024xf32, #tpu.memory_space<vmem>> -> memref<8x1024xf32, #tpu.memory_space<vmem>>
    %dma_start3A_13 = arith.constant 0 : i32
    %dma_start3A_14 = tpu.memref_slice %arg3[%mul3A_2, %dma_start3A_13] : memref<8192x1024xf32, #tpu.memory_space<hbm>> -> memref<8x1024xf32, #tpu.memory_space<hbm>>
    tpu.enqueue_dma source(%dma_start3A_14 : memref<8x1024xf32, #tpu.memory_space<hbm>>) target(%dma_start3A_12 : memref<8x1024xf32, #tpu.memory_space<vmem>>) target_semaphore(%arg8 : memref<!tpu.dma_semaphore, #tpu.memory_space<semaphore_mem>>)
    %add3A_15 = arith.constant 8 : i32
    %add3A_16 = arith.addi %mul3A_2, %add3A_15 : i32
    %dma_start3A_17 = arith.constant 1 : i32
    %dma_start3A_18 = arith.constant 0 : i32
    %dma_start3A_19 = arith.constant 0 : i32
    %dma_start3A_20 = tpu.memref_slice %arg6[%dma_start3A_17, %dma_start3A_18, %dma_start3A_19] : memref<2x8x1024xf32, #tpu.memory_space<vmem>> -> memref<1x8x1024xf32, #tpu.memory_space<vmem>>
    %dma_start3A_21 = tpu.memref_squeeze %dma_start3A_20 : memref<1x8x1024xf32, #tpu.memory_space<vmem>> -> memref<8x1024xf32, #tpu.memory_space<vmem>>
    %dma_start3A_22 = arith.constant 0 : i32
    %dma_start3A_23 = tpu.memref_slice %arg3[%add3A_16, %dma_start3A_22] : memref<8192x1024xf32, #tpu.memory_space<hbm>> -> memref<8x1024xf32, #tpu.memory_space<hbm>>
    %dma_start3A_24 = arith.constant 0 : i32
    %dma_start3A_25 = arith.constant 0 : i32
    %dma_start3A_26 = tpu.memref_slice %arg6[%dma_start3A_17, %dma_start3A_24, %dma_start3A_25] : memref<2x8x1024xf32, #tpu.memory_space<vmem>> -> memref<1x8x1024xf32, #tpu.memory_space<vmem>>
    %dma_start3A_27 = tpu.memref_squeeze %dma_start3A_26 : memref<1x8x1024xf32, #tpu.memory_space<vmem>> -> memref<8x1024xf32, #tpu.memory_space<vmem>>
    %dma_start3A_28 = arith.constant 0 : i32
    %dma_start3A_29 = tpu.memref_slice %arg3[%add3A_16, %dma_start3A_28] : memref<8192x1024xf32, #tpu.memory_space<hbm>> -> memref<8x1024xf32, #tpu.memory_space<hbm>>
    tpu.enqueue_dma source(%dma_start3A_29 : memref<8x1024xf32, #tpu.memory_space<hbm>>) target(%dma_start3A_27 : memref<8x1024xf32, #tpu.memory_space<vmem>>) target_semaphore(%arg8 : memref<!tpu.dma_semaphore, #tpu.memory_space<semaphore_mem>>)
    %dma_start3A_30 = arith.constant 0 : i32
    %dma_start3A_31 = arith.constant 0 : i32
    %dma_start3A_32 = arith.constant 0 : i32
    %dma_start3A_33 = arith.constant 0 : i32
    %dma_start3A_34 = tpu.memref_slice %arg5[%dma_start3A_31, %dma_start3A_32, %dma_start3A_33] : memref<8x8x1024xf32, #tpu.memory_space<vmem>> -> memref<1x8x1024xf32, #tpu.memory_space<vmem>>
    %dma_start3A_35 = tpu.memref_squeeze %dma_start3A_34 : memref<1x8x1024xf32, #tpu.memory_space<vmem>> -> memref<8x1024xf32, #tpu.memory_space<vmem>>
    %dma_start3A_36 = arith.constant 0 : i32
    %dma_start3A_37 = tpu.memref_slice %arg2[%dma_start3A_30, %mul3A_2, %dma_start3A_36] : memref<4x8192x1024xf32, #tpu.memory_space<hbm>> -> memref<1x8x1024xf32, #tpu.memory_space<hbm>>
    %dma_start3A_38 = tpu.memref_squeeze %dma_start3A_37 : memref<1x8x1024xf32, #tpu.memory_space<hbm>> -> memref<8x1024xf32, #tpu.memory_space<hbm>>
    %dma_start3A_39 = arith.constant 0 : i32
    %dma_start3A_40 = arith.constant 0 : i32
    %dma_start3A_41 = tpu.memref_slice %arg5[%dma_start3A_31, %dma_start3A_39, %dma_start3A_40] : memref<8x8x1024xf32, #tpu.memory_space<vmem>> -> memref<1x8x1024xf32, #tpu.memory_space<vmem>>
    %dma_start3A_42 = tpu.memref_squeeze %dma_start3A_41 : memref<1x8x1024xf32, #tpu.memory_space<vmem>> -> memref<8x1024xf32, #tpu.memory_space<vmem>>
    %dma_start3A_43 = arith.constant 0 : i32
    %dma_start3A_44 = tpu.memref_slice %arg2[%dma_start3A_30, %mul3A_2, %dma_start3A_43] : memref<4x8192x1024xf32, #tpu.memory_space<hbm>> -> memref<1x8x1024xf32, #tpu.memory_space<hbm>>
    %dma_start3A_45 = tpu.memref_squeeze %dma_start3A_44 : memref<1x8x1024xf32, #tpu.memory_space<hbm>> -> memref<8x1024xf32, #tpu.memory_space<hbm>>
    tpu.enqueue_dma source(%dma_start3A_45 : memref<8x1024xf32, #tpu.memory_space<hbm>>) target(%dma_start3A_42 : memref<8x1024xf32, #tpu.memory_space<vmem>>) target_semaphore(%arg7 : memref<!tpu.dma_semaphore, #tpu.memory_space<semaphore_mem>>)
    %dma_start3A_46 = arith.constant 1 : i32
    %dma_start3A_47 = arith.constant 1 : i32
    %dma_start3A_48 = arith.constant 0 : i32
    %dma_start3A_49 = arith.constant 0 : i32
    %dma_start3A_50 = tpu.memref_slice %arg5[%dma_start3A_47, %dma_start3A_48, %dma_start3A_49] : memref<8x8x1024xf32, #tpu.memory_space<vmem>> -> memref<1x8x1024xf32, #tpu.memory_space<vmem>>
    %dma_start3A_51 = tpu.memref_squeeze %dma_start3A_50 : memref<1x8x1024xf32, #tpu.memory_space<vmem>> -> memref<8x1024xf32, #tpu.memory_space<vmem>>
    %dma_start3A_52 = arith.constant 0 : i32
    %dma_start3A_53 = tpu.memref_slice %arg2[%dma_start3A_46, %mul3A_2, %dma_start3A_52] : memref<4x8192x1024xf32, #tpu.memory_space<hbm>> -> memref<1x8x1024xf32, #tpu.memory_space<hbm>>
    %dma_start3A_54 = tpu.memref_squeeze %dma_start3A_53 : memref<1x8x1024xf32, #tpu.memory_space<hbm>> -> memref<8x1024xf32, #tpu.memory_space<hbm>>
    %dma_start3A_55 = arith.constant 0 : i32
    %dma_start3A_56 = arith.constant 0 : i32
    %dma_start3A_57 = tpu.memref_slice %arg5[%dma_start3A_47, %dma_start3A_55, %dma_start3A_56] : memref<8x8x1024xf32, #tpu.memory_space<vmem>> -> memref<1x8x1024xf32, #tpu.memory_space<vmem>>
    %dma_start3A_58 = tpu.memref_squeeze %dma_start3A_57 : memref<1x8x1024xf32, #tpu.memory_space<vmem>> -> memref<8x1024xf32, #tpu.memory_space<vmem>>
    %dma_start3A_59 = arith.constant 0 : i32
    %dma_start3A_60 = tpu.memref_slice %arg2[%dma_start3A_46, %mul3A_2, %dma_start3A_59] : memref<4x8192x1024xf32, #tpu.memory_space<hbm>> -> memref<1x8x1024xf32, #tpu.memory_space<hbm>>
    %dma_start3A_61 = tpu.memref_squeeze %dma_start3A_60 : memref<1x8x1024xf32, #tpu.memory_space<hbm>> -> memref<8x1024xf32, #tpu.memory_space<hbm>>
    tpu.enqueue_dma source(%dma_start3A_61 : memref<8x1024xf32, #tpu.memory_space<hbm>>) target(%dma_start3A_58 : memref<8x1024xf32, #tpu.memory_space<vmem>>) target_semaphore(%arg7 : memref<!tpu.dma_semaphore, #tpu.memory_space<semaphore_mem>>)
    %dma_start3A_62 = arith.constant 2 : i32
    %dma_start3A_63 = arith.constant 2 : i32
    %dma_start3A_64 = arith.constant 0 : i32
    %dma_start3A_65 = arith.constant 0 : i32
    %dma_start3A_66 = tpu.memref_slice %arg5[%dma_start3A_63, %dma_start3A_64, %dma_start3A_65] : memref<8x8x1024xf32, #tpu.memory_space<vmem>> -> memref<1x8x1024xf32, #tpu.memory_space<vmem>>
    %dma_start3A_67 = tpu.memref_squeeze %dma_start3A_66 : memref<1x8x1024xf32, #tpu.memory_space<vmem>> -> memref<8x1024xf32, #tpu.memory_space<vmem>>
    %dma_start3A_68 = arith.constant 0 : i32
    %dma_start3A_69 = tpu.memref_slice %arg2[%dma_start3A_62, %mul3A_2, %dma_start3A_68] : memref<4x8192x1024xf32, #tpu.memory_space<hbm>> -> memref<1x8x1024xf32, #tpu.memory_space<hbm>>
    %dma_start3A_70 = tpu.memref_squeeze %dma_start3A_69 : memref<1x8x1024xf32, #tpu.memory_space<hbm>> -> memref<8x1024xf32, #tpu.memory_space<hbm>>
    %dma_start3A_71 = arith.constant 0 : i32
    %dma_start3A_72 = arith.constant 0 : i32
    %dma_start3A_73 = tpu.memref_slice %arg5[%dma_start3A_63, %dma_start3A_71, %dma_start3A_72] : memref<8x8x1024xf32, #tpu.memory_space<vmem>> -> memref<1x8x1024xf32, #tpu.memory_space<vmem>>
    %dma_start3A_74 = tpu.memref_squeeze %dma_start3A_73 : memref<1x8x1024xf32, #tpu.memory_space<vmem>> -> memref<8x1024xf32, #tpu.memory_space<vmem>>
    %dma_start3A_75 = arith.constant 0 : i32
    %dma_start3A_76 = tpu.memref_slice %arg2[%dma_start3A_62, %mul3A_2, %dma_start3A_75] : memref<4x8192x1024xf32, #tpu.memory_space<hbm>> -> memref<1x8x1024xf32, #tpu.memory_space<hbm>>
    %dma_start3A_77 = tpu.memref_squeeze %dma_start3A_76 : memref<1x8x1024xf32, #tpu.memory_space<hbm>> -> memref<8x1024xf32, #tpu.memory_space<hbm>>
    tpu.enqueue_dma source(%dma_start3A_77 : memref<8x1024xf32, #tpu.memory_space<hbm>>) target(%dma_start3A_74 : memref<8x1024xf32, #tpu.memory_space<vmem>>) target_semaphore(%arg7 : memref<!tpu.dma_semaphore, #tpu.memory_space<semaphore_mem>>)
    %scan3A = arith.constant 0 : i32
    %scan3A_78 = arith.constant 0 : i32
    %scan3A_79 = arith.constant 128 : i32
    %scan3A_80 = arith.addi %scan3A_78, %scan3A_79 : i32
    %scan3A_81 = arith.constant 1 : i32
    %scan3A_82 = scf.for %scan3A_173 = %scan3A_78 to %scan3A_80 step %scan3A_81 iter_args(%scan3A_174 = %scan3A) -> (i32)  : i32 {
      %jit3A = arith.constant 4 : i32
      %div3A = arith.divsi %scan3A_173, %jit3A : i32
      %sign3A = arith.constant 0 : i32
      %sign3A_175 = arith.cmpi sgt, %scan3A_173, %sign3A : i32
      %sign3A_176 = arith.extui %sign3A_175 : i1 to i32
      %sign3A_177 = arith.constant 0 : i32
      %sign3A_178 = arith.cmpi slt, %scan3A_173, %sign3A_177 : i32
      %sign3A_179 = arith.extui %sign3A_178 : i1 to i32
      %sign3A_180 = arith.subi %sign3A_176, %sign3A_179 : i32
      %sign3A_181 = arith.constant 0 : i32
      %sign3A_182 = arith.cmpi sgt, %jit3A, %sign3A_181 : i32
      %sign3A_183 = arith.extui %sign3A_182 : i1 to i32
      %sign3A_184 = arith.constant 0 : i32
      %sign3A_185 = arith.cmpi slt, %jit3A, %sign3A_184 : i32
      %sign3A_186 = arith.extui %sign3A_185 : i1 to i32
      %sign3A_187 = arith.subi %sign3A_183, %sign3A_186 : i32
      %ne3A = arith.cmpi ne, %sign3A_180, %sign3A_187 : i32
      %rem3A = arith.remsi %scan3A_173, %jit3A : i32
      %ne3A_188 = arith.constant 0 : i32
      %ne3A_189 = arith.cmpi ne, %rem3A, %ne3A_188 : i32
      %and3A = arith.andi %ne3A, %ne3A_189 : i1
      %sub3A = arith.constant 1 : i32
      %sub3A_190 = arith.subi %div3A, %sub3A : i32
      %select_n3A = arith.select %and3A, %sub3A_190, %div3A : i32
      %jit3A_191 = arith.constant 4 : i32
      %eq3A = arith.constant 0 : i32
      %eq3A_192 = arith.cmpi eq, %jit3A_191, %eq3A : i32
      %jit3A_193 = arith.constant 1 : i32
      %select_n3A_194 = arith.select %eq3A_192, %jit3A_193, %jit3A_191 : i32
      %rem3A_195 = arith.remsi %scan3A_173, %select_n3A_194 : i32
      %ne3A_196 = arith.constant 0 : i32
      %ne3A_197 = arith.cmpi ne, %rem3A_195, %ne3A_196 : i32
      %lt3A = arith.constant 0 : i32
      %lt3A_198 = arith.cmpi slt, %rem3A_195, %lt3A : i32
      %lt3A_199 = arith.constant 0 : i32
      %lt3A_200 = arith.cmpi slt, %select_n3A_194, %lt3A_199 : i32
      %ne3A_201 = arith.xori %lt3A_198, %lt3A_200 : i1
      %and3A_202 = arith.andi %ne3A_201, %ne3A_197 : i1
      %add3A_203 = arith.addi %rem3A_195, %select_n3A_194 : i32
      %select_n3A_204 = arith.select %and3A_202, %add3A_203, %rem3A_195 : i32
      %jit3A_205 = arith.constant 8 : i32
      %eq3A_206 = arith.constant 0 : i32
      %eq3A_207 = arith.cmpi eq, %jit3A_205, %eq3A_206 : i32
      %jit3A_208 = arith.constant 1 : i32
      %select_n3A_209 = arith.select %eq3A_207, %jit3A_208, %jit3A_205 : i32
      %rem3A_210 = arith.remsi %scan3A_173, %select_n3A_209 : i32
      %ne3A_211 = arith.constant 0 : i32
      %ne3A_212 = arith.cmpi ne, %rem3A_210, %ne3A_211 : i32
      %lt3A_213 = arith.constant 0 : i32
      %lt3A_214 = arith.cmpi slt, %rem3A_210, %lt3A_213 : i32
      %lt3A_215 = arith.constant 0 : i32
      %lt3A_216 = arith.cmpi slt, %select_n3A_209, %lt3A_215 : i32
      %ne3A_217 = arith.xori %lt3A_214, %lt3A_216 : i1
      %and3A_218 = arith.andi %ne3A_217, %ne3A_212 : i1
      %add3A_219 = arith.addi %rem3A_210, %select_n3A_209 : i32
      %select_n3A_220 = arith.select %and3A_218, %add3A_219, %rem3A_210 : i32
      %jit3A_221 = arith.constant 2 : i32
      %eq3A_222 = arith.constant 0 : i32
      %eq3A_223 = arith.cmpi eq, %jit3A_221, %eq3A_222 : i32
      %jit3A_224 = arith.constant 1 : i32
      %select_n3A_225 = arith.select %eq3A_223, %jit3A_224, %jit3A_221 : i32
      %rem3A_226 = arith.remsi %select_n3A, %select_n3A_225 : i32
      %ne3A_227 = arith.constant 0 : i32
      %ne3A_228 = arith.cmpi ne, %rem3A_226, %ne3A_227 : i32
      %lt3A_229 = arith.constant 0 : i32
      %lt3A_230 = arith.cmpi slt, %rem3A_226, %lt3A_229 : i32
      %lt3A_231 = arith.constant 0 : i32
      %lt3A_232 = arith.cmpi slt, %select_n3A_225, %lt3A_231 : i32
      %ne3A_233 = arith.xori %lt3A_230, %lt3A_232 : i1
      %and3A_234 = arith.andi %ne3A_233, %ne3A_228 : i1
      %add3A_235 = arith.addi %rem3A_226, %select_n3A_225 : i32
      %select_n3A_236 = arith.select %and3A_234, %add3A_235, %rem3A_226 : i32
      %ge3A = arith.constant 5 : i32
      %ge3A_237 = arith.cmpi sge, %scan3A_173, %ge3A : i32
      %convert_element_type3A = arith.extui %ge3A_237 : i1 to i32
      %cond3A = arith.constant 0 : i32
      %cond3A_238 = arith.cmpi ne, %convert_element_type3A, %cond3A : i32
      scf.if %cond3A_238 {
        %sub3A_346 = arith.constant 5 : i32
        %sub3A_347 = arith.subi %scan3A_173, %sub3A_346 : i32
        %jit3A_348 = arith.constant 8 : i32
        %eq3A_349 = arith.constant 0 : i32
        %eq3A_350 = arith.cmpi eq, %jit3A_348, %eq3A_349 : i32
        %jit3A_351 = arith.constant 1 : i32
        %select_n3A_352 = arith.select %eq3A_350, %jit3A_351, %jit3A_348 : i32
        %rem3A_353 = arith.remsi %sub3A_347, %select_n3A_352 : i32
        %ne3A_354 = arith.constant 0 : i32
        %ne3A_355 = arith.cmpi ne, %rem3A_353, %ne3A_354 : i32
        %lt3A_356 = arith.constant 0 : i32
        %lt3A_357 = arith.cmpi slt, %rem3A_353, %lt3A_356 : i32
        %lt3A_358 = arith.constant 0 : i32
        %lt3A_359 = arith.cmpi slt, %select_n3A_352, %lt3A_358 : i32
        %ne3A_360 = arith.xori %lt3A_357, %lt3A_359 : i1
        %and3A_361 = arith.andi %ne3A_360, %ne3A_355 : i1
        %add3A_362 = arith.addi %rem3A_353, %select_n3A_352 : i32
        %select_n3A_363 = arith.select %and3A_361, %add3A_362, %rem3A_353 : i32
        %sub3A_364 = arith.constant 5 : i32
        %sub3A_365 = arith.subi %scan3A_173, %sub3A_364 : i32
        %jit3A_366 = arith.constant 4 : i32
        %eq3A_367 = arith.constant 0 : i32
        %eq3A_368 = arith.cmpi eq, %jit3A_366, %eq3A_367 : i32
        %jit3A_369 = arith.constant 1 : i32
        %select_n3A_370 = arith.select %eq3A_368, %jit3A_369, %jit3A_366 : i32
        %rem3A_371 = arith.remsi %sub3A_365, %select_n3A_370 : i32
        %ne3A_372 = arith.constant 0 : i32
        %ne3A_373 = arith.cmpi ne, %rem3A_371, %ne3A_372 : i32
        %lt3A_374 = arith.constant 0 : i32
        %lt3A_375 = arith.cmpi slt, %rem3A_371, %lt3A_374 : i32
        %lt3A_376 = arith.constant 0 : i32
        %lt3A_377 = arith.cmpi slt, %select_n3A_370, %lt3A_376 : i32
        %ne3A_378 = arith.xori %lt3A_375, %lt3A_377 : i1
        %and3A_379 = arith.andi %ne3A_378, %ne3A_373 : i1
        %add3A_380 = arith.addi %rem3A_371, %select_n3A_370 : i32
        %select_n3A_381 = arith.select %and3A_379, %add3A_380, %rem3A_371 : i32
        %sub3A_382 = arith.constant 5 : i32
        %sub3A_383 = arith.subi %scan3A_173, %sub3A_382 : i32
        %jit3A_384 = arith.constant 4 : i32
        %div3A_385 = arith.divsi %sub3A_383, %jit3A_384 : i32
        %sign3A_386 = arith.constant 0 : i32
        %sign3A_387 = arith.cmpi sgt, %sub3A_383, %sign3A_386 : i32
        %sign3A_388 = arith.extui %sign3A_387 : i1 to i32
        %sign3A_389 = arith.constant 0 : i32
        %sign3A_390 = arith.cmpi slt, %sub3A_383, %sign3A_389 : i32
        %sign3A_391 = arith.extui %sign3A_390 : i1 to i32
        %sign3A_392 = arith.subi %sign3A_388, %sign3A_391 : i32
        %sign3A_393 = arith.constant 0 : i32
        %sign3A_394 = arith.cmpi sgt, %jit3A_384, %sign3A_393 : i32
        %sign3A_395 = arith.extui %sign3A_394 : i1 to i32
        %sign3A_396 = arith.constant 0 : i32
        %sign3A_397 = arith.cmpi slt, %jit3A_384, %sign3A_396 : i32
        %sign3A_398 = arith.extui %sign3A_397 : i1 to i32
        %sign3A_399 = arith.subi %sign3A_395, %sign3A_398 : i32
        %ne3A_400 = arith.cmpi ne, %sign3A_392, %sign3A_399 : i32
        %rem3A_401 = arith.remsi %sub3A_383, %jit3A_384 : i32
        %ne3A_402 = arith.constant 0 : i32
        %ne3A_403 = arith.cmpi ne, %rem3A_401, %ne3A_402 : i32
        %and3A_404 = arith.andi %ne3A_400, %ne3A_403 : i1
        %sub3A_405 = arith.constant 1 : i32
        %sub3A_406 = arith.subi %div3A_385, %sub3A_405 : i32
        %select_n3A_407 = arith.select %and3A_404, %sub3A_406, %div3A_385 : i32
        %mul3A_408 = arith.constant 8 : i32
        %mul3A_409 = arith.muli %select_n3A_407, %mul3A_408 : i32
        %add3A_410 = arith.addi %mul3A_2, %mul3A_409 : i32
        %dma_wait3A_411 = arith.constant 0 : i32
        %dma_wait3A_412 = arith.constant 0 : i32
        %dma_wait3A_413 = tpu.memref_slice %arg5[%select_n3A_363, %dma_wait3A_411, %dma_wait3A_412] : memref<8x8x1024xf32, #tpu.memory_space<vmem>> -> memref<1x8x1024xf32, #tpu.memory_space<vmem>>
        %dma_wait3A_414 = tpu.memref_squeeze %dma_wait3A_413 : memref<1x8x1024xf32, #tpu.memory_space<vmem>> -> memref<8x1024xf32, #tpu.memory_space<vmem>>
        %dma_wait3A_415 = arith.constant 0 : i32
        %dma_wait3A_416 = tpu.memref_slice %arg4[%select_n3A_381, %add3A_410, %dma_wait3A_415] : memref<4x8192x1024xf32, #tpu.memory_space<hbm>> -> memref<1x8x1024xf32, #tpu.memory_space<hbm>>
        %dma_wait3A_417 = tpu.memref_squeeze %dma_wait3A_416 : memref<1x8x1024xf32, #tpu.memory_space<hbm>> -> memref<8x1024xf32, #tpu.memory_space<hbm>>
        %dma_wait3A_418 = arith.constant 0 : i32
        %dma_wait3A_419 = tpu.memref_slice %arg4[%select_n3A_381, %add3A_410, %dma_wait3A_418] : memref<4x8192x1024xf32, #tpu.memory_space<hbm>> -> memref<1x8x1024xf32, #tpu.memory_space<hbm>>
        %dma_wait3A_420 = tpu.memref_squeeze %dma_wait3A_419 : memref<1x8x1024xf32, #tpu.memory_space<hbm>> -> memref<8x1024xf32, #tpu.memory_space<hbm>>
        %dma_wait3A_421 = arith.constant 0 : i32
        %dma_wait3A_422 = arith.constant 0 : i32
        %dma_wait3A_423 = tpu.memref_slice %arg5[%select_n3A_363, %dma_wait3A_421, %dma_wait3A_422] : memref<8x8x1024xf32, #tpu.memory_space<vmem>> -> memref<1x8x1024xf32, #tpu.memory_space<vmem>>
        %dma_wait3A_424 = tpu.memref_squeeze %dma_wait3A_423 : memref<1x8x1024xf32, #tpu.memory_space<vmem>> -> memref<8x1024xf32, #tpu.memory_space<vmem>>
        tpu.wait_dma2 semaphore(%arg9 : memref<!tpu.dma_semaphore, #tpu.memory_space<semaphore_mem>>) src(%dma_wait3A_424 : memref<8x1024xf32, #tpu.memory_space<vmem>>) dst(%dma_wait3A_420 : memref<8x1024xf32, #tpu.memory_space<hbm>>)
      } else {
      }
      %add3A_239 = arith.constant 3 : i32
      %add3A_240 = arith.addi %scan3A_173, %add3A_239 : i32
      %lt3A_241 = arith.constant 128 : i32
      %lt3A_242 = arith.cmpi slt, %add3A_240, %lt3A_241 : i32
      %convert_element_type3A_243 = arith.extui %lt3A_242 : i1 to i32
      %cond3A_244 = arith.constant 0 : i32
      %cond3A_245 = arith.cmpi ne, %convert_element_type3A_243, %cond3A_244 : i32
      scf.if %cond3A_245 {
        %add3A_346 = arith.constant 3 : i32
        %add3A_347 = arith.addi %scan3A_173, %add3A_346 : i32
        %jit3A_348 = arith.constant 4 : i32
        %eq3A_349 = arith.constant 0 : i32
        %eq3A_350 = arith.cmpi eq, %jit3A_348, %eq3A_349 : i32
        %jit3A_351 = arith.constant 1 : i32
        %select_n3A_352 = arith.select %eq3A_350, %jit3A_351, %jit3A_348 : i32
        %rem3A_353 = arith.remsi %add3A_347, %select_n3A_352 : i32
        %ne3A_354 = arith.constant 0 : i32
        %ne3A_355 = arith.cmpi ne, %rem3A_353, %ne3A_354 : i32
        %lt3A_356 = arith.constant 0 : i32
        %lt3A_357 = arith.cmpi slt, %rem3A_353, %lt3A_356 : i32
        %lt3A_358 = arith.constant 0 : i32
        %lt3A_359 = arith.cmpi slt, %select_n3A_352, %lt3A_358 : i32
        %ne3A_360 = arith.xori %lt3A_357, %lt3A_359 : i1
        %and3A_361 = arith.andi %ne3A_360, %ne3A_355 : i1
        %add3A_362 = arith.addi %rem3A_353, %select_n3A_352 : i32
        %select_n3A_363 = arith.select %and3A_361, %add3A_362, %rem3A_353 : i32
        %add3A_364 = arith.constant 3 : i32
        %add3A_365 = arith.addi %scan3A_173, %add3A_364 : i32
        %jit3A_366 = arith.constant 4 : i32
        %div3A_367 = arith.divsi %add3A_365, %jit3A_366 : i32
        %sign3A_368 = arith.constant 0 : i32
        %sign3A_369 = arith.cmpi sgt, %add3A_365, %sign3A_368 : i32
        %sign3A_370 = arith.extui %sign3A_369 : i1 to i32
        %sign3A_371 = arith.constant 0 : i32
        %sign3A_372 = arith.cmpi slt, %add3A_365, %sign3A_371 : i32
        %sign3A_373 = arith.extui %sign3A_372 : i1 to i32
        %sign3A_374 = arith.subi %sign3A_370, %sign3A_373 : i32
        %sign3A_375 = arith.constant 0 : i32
        %sign3A_376 = arith.cmpi sgt, %jit3A_366, %sign3A_375 : i32
        %sign3A_377 = arith.extui %sign3A_376 : i1 to i32
        %sign3A_378 = arith.constant 0 : i32
        %sign3A_379 = arith.cmpi slt, %jit3A_366, %sign3A_378 : i32
        %sign3A_380 = arith.extui %sign3A_379 : i1 to i32
        %sign3A_381 = arith.subi %sign3A_377, %sign3A_380 : i32
        %ne3A_382 = arith.cmpi ne, %sign3A_374, %sign3A_381 : i32
        %rem3A_383 = arith.remsi %add3A_365, %jit3A_366 : i32
        %ne3A_384 = arith.constant 0 : i32
        %ne3A_385 = arith.cmpi ne, %rem3A_383, %ne3A_384 : i32
        %and3A_386 = arith.andi %ne3A_382, %ne3A_385 : i1
        %sub3A_387 = arith.constant 1 : i32
        %sub3A_388 = arith.subi %div3A_367, %sub3A_387 : i32
        %select_n3A_389 = arith.select %and3A_386, %sub3A_388, %div3A_367 : i32
        %mul3A_390 = arith.constant 8 : i32
        %mul3A_391 = arith.muli %select_n3A_389, %mul3A_390 : i32
        %add3A_392 = arith.addi %mul3A_2, %mul3A_391 : i32
        %add3A_393 = arith.constant 3 : i32
        %add3A_394 = arith.addi %scan3A_173, %add3A_393 : i32
        %jit3A_395 = arith.constant 8 : i32
        %eq3A_396 = arith.constant 0 : i32
        %eq3A_397 = arith.cmpi eq, %jit3A_395, %eq3A_396 : i32
        %jit3A_398 = arith.constant 1 : i32
        %select_n3A_399 = arith.select %eq3A_397, %jit3A_398, %jit3A_395 : i32
        %rem3A_400 = arith.remsi %add3A_394, %select_n3A_399 : i32
        %ne3A_401 = arith.constant 0 : i32
        %ne3A_402 = arith.cmpi ne, %rem3A_400, %ne3A_401 : i32
        %lt3A_403 = arith.constant 0 : i32
        %lt3A_404 = arith.cmpi slt, %rem3A_400, %lt3A_403 : i32
        %lt3A_405 = arith.constant 0 : i32
        %lt3A_406 = arith.cmpi slt, %select_n3A_399, %lt3A_405 : i32
        %ne3A_407 = arith.xori %lt3A_404, %lt3A_406 : i1
        %and3A_408 = arith.andi %ne3A_407, %ne3A_402 : i1
        %add3A_409 = arith.addi %rem3A_400, %select_n3A_399 : i32
        %select_n3A_410 = arith.select %and3A_408, %add3A_409, %rem3A_400 : i32
        %dma_start3A_411 = arith.constant 0 : i32
        %dma_start3A_412 = arith.constant 0 : i32
        %dma_start3A_413 = tpu.memref_slice %arg5[%select_n3A_410, %dma_start3A_411, %dma_start3A_412] : memref<8x8x1024xf32, #tpu.memory_space<vmem>> -> memref<1x8x1024xf32, #tpu.memory_space<vmem>>
        %dma_start3A_414 = tpu.memref_squeeze %dma_start3A_413 : memref<1x8x1024xf32, #tpu.memory_space<vmem>> -> memref<8x1024xf32, #tpu.memory_space<vmem>>
        %dma_start3A_415 = arith.constant 0 : i32
        %dma_start3A_416 = tpu.memref_slice %arg2[%select_n3A_363, %add3A_392, %dma_start3A_415] : memref<4x8192x1024xf32, #tpu.memory_space<hbm>> -> memref<1x8x1024xf32, #tpu.memory_space<hbm>>
        %dma_start3A_417 = tpu.memref_squeeze %dma_start3A_416 : memref<1x8x1024xf32, #tpu.memory_space<hbm>> -> memref<8x1024xf32, #tpu.memory_space<hbm>>
        %dma_start3A_418 = arith.constant 0 : i32
        %dma_start3A_419 = arith.constant 0 : i32
        %dma_start3A_420 = tpu.memref_slice %arg5[%select_n3A_410, %dma_start3A_418, %dma_start3A_419] : memref<8x8x1024xf32, #tpu.memory_space<vmem>> -> memref<1x8x1024xf32, #tpu.memory_space<vmem>>
        %dma_start3A_421 = tpu.memref_squeeze %dma_start3A_420 : memref<1x8x1024xf32, #tpu.memory_space<vmem>> -> memref<8x1024xf32, #tpu.memory_space<vmem>>
        %dma_start3A_422 = arith.constant 0 : i32
        %dma_start3A_423 = tpu.memref_slice %arg2[%select_n3A_363, %add3A_392, %dma_start3A_422] : memref<4x8192x1024xf32, #tpu.memory_space<hbm>> -> memref<1x8x1024xf32, #tpu.memory_space<hbm>>
        %dma_start3A_424 = tpu.memref_squeeze %dma_start3A_423 : memref<1x8x1024xf32, #tpu.memory_space<hbm>> -> memref<8x1024xf32, #tpu.memory_space<hbm>>
        tpu.enqueue_dma source(%dma_start3A_424 : memref<8x1024xf32, #tpu.memory_space<hbm>>) target(%dma_start3A_421 : memref<8x1024xf32, #tpu.memory_space<vmem>>) target_semaphore(%arg7 : memref<!tpu.dma_semaphore, #tpu.memory_space<semaphore_mem>>)
      } else {
      }
      %jit3A_246 = arith.constant 4 : i32
      %div3A_247 = arith.divsi %scan3A_173, %jit3A_246 : i32
      %sign3A_248 = arith.constant 0 : i32
      %sign3A_249 = arith.cmpi sgt, %scan3A_173, %sign3A_248 : i32
      %sign3A_250 = arith.extui %sign3A_249 : i1 to i32
      %sign3A_251 = arith.constant 0 : i32
      %sign3A_252 = arith.cmpi slt, %scan3A_173, %sign3A_251 : i32
      %sign3A_253 = arith.extui %sign3A_252 : i1 to i32
      %sign3A_254 = arith.subi %sign3A_250, %sign3A_253 : i32
      %sign3A_255 = arith.constant 0 : i32
      %sign3A_256 = arith.cmpi sgt, %jit3A_246, %sign3A_255 : i32
      %sign3A_257 = arith.extui %sign3A_256 : i1 to i32
      %sign3A_258 = arith.constant 0 : i32
      %sign3A_259 = arith.cmpi slt, %jit3A_246, %sign3A_258 : i32
      %sign3A_260 = arith.extui %sign3A_259 : i1 to i32
      %sign3A_261 = arith.subi %sign3A_257, %sign3A_260 : i32
      %ne3A_262 = arith.cmpi ne, %sign3A_254, %sign3A_261 : i32
      %rem3A_263 = arith.remsi %scan3A_173, %jit3A_246 : i32
      %ne3A_264 = arith.constant 0 : i32
      %ne3A_265 = arith.cmpi ne, %rem3A_263, %ne3A_264 : i32
      %and3A_266 = arith.andi %ne3A_262, %ne3A_265 : i1
      %sub3A_267 = arith.constant 1 : i32
      %sub3A_268 = arith.subi %div3A_247, %sub3A_267 : i32
      %select_n3A_269 = arith.select %and3A_266, %sub3A_268, %div3A_247 : i32
      %mul3A_270 = arith.constant 8 : i32
      %mul3A_271 = arith.muli %select_n3A_269, %mul3A_270 : i32
      %add3A_272 = arith.addi %mul3A_2, %mul3A_271 : i32
      %dma_wait3A_273 = arith.constant 0 : i32
      %dma_wait3A_274 = arith.constant 0 : i32
      %dma_wait3A_275 = tpu.memref_slice %arg5[%select_n3A_220, %dma_wait3A_273, %dma_wait3A_274] : memref<8x8x1024xf32, #tpu.memory_space<vmem>> -> memref<1x8x1024xf32, #tpu.memory_space<vmem>>
      %dma_wait3A_276 = tpu.memref_squeeze %dma_wait3A_275 : memref<1x8x1024xf32, #tpu.memory_space<vmem>> -> memref<8x1024xf32, #tpu.memory_space<vmem>>
      %dma_wait3A_277 = arith.constant 0 : i32
      %dma_wait3A_278 = tpu.memref_slice %arg2[%select_n3A_204, %add3A_272, %dma_wait3A_277] : memref<4x8192x1024xf32, #tpu.memory_space<hbm>> -> memref<1x8x1024xf32, #tpu.memory_space<hbm>>
      %dma_wait3A_279 = tpu.memref_squeeze %dma_wait3A_278 : memref<1x8x1024xf32, #tpu.memory_space<hbm>> -> memref<8x1024xf32, #tpu.memory_space<hbm>>
      %dma_wait3A_280 = arith.constant 0 : i32
      %dma_wait3A_281 = arith.constant 0 : i32
      %dma_wait3A_282 = tpu.memref_slice %arg5[%select_n3A_220, %dma_wait3A_280, %dma_wait3A_281] : memref<8x8x1024xf32, #tpu.memory_space<vmem>> -> memref<1x8x1024xf32, #tpu.memory_space<vmem>>
      %dma_wait3A_283 = tpu.memref_squeeze %dma_wait3A_282 : memref<1x8x1024xf32, #tpu.memory_space<vmem>> -> memref<8x1024xf32, #tpu.memory_space<vmem>>
      %dma_wait3A_284 = arith.constant 0 : i32
      %dma_wait3A_285 = tpu.memref_slice %arg2[%select_n3A_204, %add3A_272, %dma_wait3A_284] : memref<4x8192x1024xf32, #tpu.memory_space<hbm>> -> memref<1x8x1024xf32, #tpu.memory_space<hbm>>
      %dma_wait3A_286 = tpu.memref_squeeze %dma_wait3A_285 : memref<1x8x1024xf32, #tpu.memory_space<hbm>> -> memref<8x1024xf32, #tpu.memory_space<hbm>>
      tpu.wait_dma2 semaphore(%arg7 : memref<!tpu.dma_semaphore, #tpu.memory_space<semaphore_mem>>) src(%dma_wait3A_286 : memref<8x1024xf32, #tpu.memory_space<hbm>>) dst(%dma_wait3A_283 : memref<8x1024xf32, #tpu.memory_space<vmem>>)
      %eq3A_287 = arith.constant 0 : i32
      %eq3A_288 = arith.cmpi eq, %select_n3A_204, %eq3A_287 : i32
      %convert_element_type3A_289 = arith.extui %eq3A_288 : i1 to i32
      %cond3A_290 = arith.constant 0 : i32
      %cond3A_291 = arith.cmpi ne, %convert_element_type3A_289, %cond3A_290 : i32
      scf.if %cond3A_291 {
        %jit3A_346 = arith.constant 4 : i32
        %div3A_347 = arith.divsi %scan3A_173, %jit3A_346 : i32
        %sign3A_348 = arith.constant 0 : i32
        %sign3A_349 = arith.cmpi sgt, %scan3A_173, %sign3A_348 : i32
        %sign3A_350 = arith.extui %sign3A_349 : i1 to i32
        %sign3A_351 = arith.constant 0 : i32
        %sign3A_352 = arith.cmpi slt, %scan3A_173, %sign3A_351 : i32
        %sign3A_353 = arith.extui %sign3A_352 : i1 to i32
        %sign3A_354 = arith.subi %sign3A_350, %sign3A_353 : i32
        %sign3A_355 = arith.constant 0 : i32
        %sign3A_356 = arith.cmpi sgt, %jit3A_346, %sign3A_355 : i32
        %sign3A_357 = arith.extui %sign3A_356 : i1 to i32
        %sign3A_358 = arith.constant 0 : i32
        %sign3A_359 = arith.cmpi slt, %jit3A_346, %sign3A_358 : i32
        %sign3A_360 = arith.extui %sign3A_359 : i1 to i32
        %sign3A_361 = arith.subi %sign3A_357, %sign3A_360 : i32
        %ne3A_362 = arith.cmpi ne, %sign3A_354, %sign3A_361 : i32
        %rem3A_363 = arith.remsi %scan3A_173, %jit3A_346 : i32
        %ne3A_364 = arith.constant 0 : i32
        %ne3A_365 = arith.cmpi ne, %rem3A_363, %ne3A_364 : i32
        %and3A_366 = arith.andi %ne3A_362, %ne3A_365 : i1
        %sub3A_367 = arith.constant 1 : i32
        %sub3A_368 = arith.subi %div3A_347, %sub3A_367 : i32
        %select_n3A_369 = arith.select %and3A_366, %sub3A_368, %div3A_347 : i32
        %mul3A_370 = arith.constant 8 : i32
        %mul3A_371 = arith.muli %select_n3A_369, %mul3A_370 : i32
        %add3A_372 = arith.addi %mul3A_2, %mul3A_371 : i32
        %dma_wait3A_373 = arith.constant 0 : i32
        %dma_wait3A_374 = arith.constant 0 : i32
        %dma_wait3A_375 = tpu.memref_slice %arg6[%select_n3A_236, %dma_wait3A_373, %dma_wait3A_374] : memref<2x8x1024xf32, #tpu.memory_space<vmem>> -> memref<1x8x1024xf32, #tpu.memory_space<vmem>>
        %dma_wait3A_376 = tpu.memref_squeeze %dma_wait3A_375 : memref<1x8x1024xf32, #tpu.memory_space<vmem>> -> memref<8x1024xf32, #tpu.memory_space<vmem>>
        %dma_wait3A_377 = arith.constant 0 : i32
        %dma_wait3A_378 = tpu.memref_slice %arg3[%add3A_372, %dma_wait3A_377] : memref<8192x1024xf32, #tpu.memory_space<hbm>> -> memref<8x1024xf32, #tpu.memory_space<hbm>>
        %dma_wait3A_379 = arith.constant 0 : i32
        %dma_wait3A_380 = arith.constant 0 : i32
        %dma_wait3A_381 = tpu.memref_slice %arg6[%select_n3A_236, %dma_wait3A_379, %dma_wait3A_380] : memref<2x8x1024xf32, #tpu.memory_space<vmem>> -> memref<1x8x1024xf32, #tpu.memory_space<vmem>>
        %dma_wait3A_382 = tpu.memref_squeeze %dma_wait3A_381 : memref<1x8x1024xf32, #tpu.memory_space<vmem>> -> memref<8x1024xf32, #tpu.memory_space<vmem>>
        %dma_wait3A_383 = arith.constant 0 : i32
        %dma_wait3A_384 = tpu.memref_slice %arg3[%add3A_372, %dma_wait3A_383] : memref<8192x1024xf32, #tpu.memory_space<hbm>> -> memref<8x1024xf32, #tpu.memory_space<hbm>>
        tpu.wait_dma2 semaphore(%arg8 : memref<!tpu.dma_semaphore, #tpu.memory_space<semaphore_mem>>) src(%dma_wait3A_384 : memref<8x1024xf32, #tpu.memory_space<hbm>>) dst(%dma_wait3A_382 : memref<8x1024xf32, #tpu.memory_space<vmem>>)
      } else {
      }
      %parallel_loop3A = arith.constant 0 : i32
      %parallel_loop3A_292 = arith.constant 512 : i32
      %parallel_loop3A_293 = arith.constant 1 : i32
      scf.for %parallel_loop3A_346 = %parallel_loop3A to %parallel_loop3A_292 step %parallel_loop3A_293  : i32 {
        %parallel_loop3A_347 = arith.constant 64 : i32
        %parallel_loop3A_348 = arith.divsi %parallel_loop3A_346, %parallel_loop3A_347 : i32
        %parallel_loop3A_349 = arith.constant 0 : i32
        %parallel_loop3A_350 = arith.cmpi sgt, %parallel_loop3A_346, %parallel_loop3A_349 : i32
        %parallel_loop3A_351 = arith.extui %parallel_loop3A_350 : i1 to i32
        %parallel_loop3A_352 = arith.constant 0 : i32
        %parallel_loop3A_353 = arith.cmpi slt, %parallel_loop3A_346, %parallel_loop3A_352 : i32
        %parallel_loop3A_354 = arith.extui %parallel_loop3A_353 : i1 to i32
        %parallel_loop3A_355 = arith.subi %parallel_loop3A_351, %parallel_loop3A_354 : i32
        %parallel_loop3A_356 = arith.constant 0 : i32
        %parallel_loop3A_357 = arith.cmpi sgt, %parallel_loop3A_347, %parallel_loop3A_356 : i32
        %parallel_loop3A_358 = arith.extui %parallel_loop3A_357 : i1 to i32
        %parallel_loop3A_359 = arith.constant 0 : i32
        %parallel_loop3A_360 = arith.cmpi slt, %parallel_loop3A_347, %parallel_loop3A_359 : i32
        %parallel_loop3A_361 = arith.extui %parallel_loop3A_360 : i1 to i32
        %parallel_loop3A_362 = arith.subi %parallel_loop3A_358, %parallel_loop3A_361 : i32
        %parallel_loop3A_363 = arith.cmpi ne, %parallel_loop3A_355, %parallel_loop3A_362 : i32
        %parallel_loop3A_364 = arith.remsi %parallel_loop3A_346, %parallel_loop3A_347 : i32
        %parallel_loop3A_365 = arith.constant 0 : i32
        %parallel_loop3A_366 = arith.cmpi ne, %parallel_loop3A_364, %parallel_loop3A_365 : i32
        %parallel_loop3A_367 = arith.andi %parallel_loop3A_363, %parallel_loop3A_366 : i1
        %parallel_loop3A_368 = arith.constant 1 : i32
        %parallel_loop3A_369 = arith.subi %parallel_loop3A_348, %parallel_loop3A_368 : i32
        %parallel_loop3A_370 = arith.select %parallel_loop3A_367, %parallel_loop3A_369, %parallel_loop3A_348 : i32
        %parallel_loop3A_371 = arith.constant 64 : i32
        %parallel_loop3A_372 = arith.constant 0 : i32
        %parallel_loop3A_373 = arith.cmpi eq, %parallel_loop3A_371, %parallel_loop3A_372 : i32
        %parallel_loop3A_374 = arith.constant 1 : i32
        %parallel_loop3A_375 = arith.select %parallel_loop3A_373, %parallel_loop3A_374, %parallel_loop3A_371 : i32
        %parallel_loop3A_376 = arith.remsi %parallel_loop3A_346, %parallel_loop3A_375 : i32
        %parallel_loop3A_377 = arith.constant 0 : i32
        %parallel_loop3A_378 = arith.cmpi ne, %parallel_loop3A_376, %parallel_loop3A_377 : i32
        %parallel_loop3A_379 = arith.constant 0 : i32
        %parallel_loop3A_380 = arith.cmpi slt, %parallel_loop3A_376, %parallel_loop3A_379 : i32
        %parallel_loop3A_381 = arith.constant 0 : i32
        %parallel_loop3A_382 = arith.cmpi slt, %parallel_loop3A_375, %parallel_loop3A_381 : i32
        %parallel_loop3A_383 = arith.xori %parallel_loop3A_380, %parallel_loop3A_382 : i1
        %parallel_loop3A_384 = arith.andi %parallel_loop3A_383, %parallel_loop3A_378 : i1
        %parallel_loop3A_385 = arith.addi %parallel_loop3A_376, %parallel_loop3A_375 : i32
        %parallel_loop3A_386 = arith.select %parallel_loop3A_384, %parallel_loop3A_385, %parallel_loop3A_376 : i32
        %parallel_loop3A_387 = arith.constant 16 : i32
        %parallel_loop3A_388 = arith.muli %parallel_loop3A_386, %parallel_loop3A_387 : i32
        %parallel_loop3A_389 = arith.index_cast %select_n3A_236 : i32 to index
        %parallel_loop3A_390 = arith.index_cast %parallel_loop3A_370 : i32 to index
        %parallel_loop3A_391 = arith.index_cast %parallel_loop3A_388 : i32 to index
        %parallel_loop3A_392 = tpu.vector_load %arg6[%parallel_loop3A_389, %parallel_loop3A_390, %parallel_loop3A_391] {strides = array<i32>} : memref<2x8x1024xf32, #tpu.memory_space<vmem>>, vector<1x1x16xf32>,
        %parallel_loop3A_393 = vector.shape_cast %parallel_loop3A_392 : vector<1x1x16xf32> to vector<16xf32>
        %parallel_loop3A_394 = arith.index_cast %select_n3A_220 : i32 to index
        %parallel_loop3A_395 = arith.index_cast %parallel_loop3A_370 : i32 to index
        %parallel_loop3A_396 = arith.index_cast %parallel_loop3A_388 : i32 to index
        %parallel_loop3A_397 = tpu.vector_load %arg5[%parallel_loop3A_394, %parallel_loop3A_395, %parallel_loop3A_396] {strides = array<i32>} : memref<8x8x1024xf32, #tpu.memory_space<vmem>>, vector<1x1x16xf32>,
        %parallel_loop3A_398 = vector.shape_cast %parallel_loop3A_397 : vector<1x1x16xf32> to vector<16xf32>
        %parallel_loop3A_399 = vector.shape_cast %parallel_loop3A_393 : vector<16xf32> to vector<1x1x16xf32>
        tpu.vector_store %arg5[%parallel_loop3A_394, %parallel_loop3A_395, %parallel_loop3A_396], %parallel_loop3A_399 {add = true, strides = array<i32>} : memref<8x8x1024xf32, #tpu.memory_space<vmem>>, vector<1x1x16xf32>,
      } {sc.loop_unroll_factor = 8 : i64, sc.parallel_access}
      %eq3A_294 = arith.constant 3 : i32
      %eq3A_295 = arith.cmpi eq, %select_n3A_204, %eq3A_294 : i32
      %add3A_296 = arith.constant 2 : i32
      %add3A_297 = arith.addi %select_n3A, %add3A_296 : i32
      %lt3A_298 = arith.constant 32 : i32
      %lt3A_299 = arith.cmpi slt, %add3A_297, %lt3A_298 : i32
      %and3A_300 = arith.andi %eq3A_295, %lt3A_299 : i1
      %convert_element_type3A_301 = arith.extui %and3A_300 : i1 to i32
      %cond3A_302 = arith.constant 0 : i32
      %cond3A_303 = arith.cmpi ne, %convert_element_type3A_301, %cond3A_302 : i32
      scf.if %cond3A_303 {
        %add3A_346 = arith.constant 2 : i32
        %add3A_347 = arith.addi %select_n3A, %add3A_346 : i32
        %mul3A_348 = arith.constant 8 : i32
        %mul3A_349 = arith.muli %add3A_347, %mul3A_348 : i32
        %add3A_350 = arith.addi %mul3A_2, %mul3A_349 : i32
        %dma_start3A_351 = arith.constant 0 : i32
        %dma_start3A_352 = arith.constant 0 : i32
        %dma_start3A_353 = tpu.memref_slice %arg6[%select_n3A_236, %dma_start3A_351, %dma_start3A_352] : memref<2x8x1024xf32, #tpu.memory_space<vmem>> -> memref<1x8x1024xf32, #tpu.memory_space<vmem>>
        %dma_start3A_354 = tpu.memref_squeeze %dma_start3A_353 : memref<1x8x1024xf32, #tpu.memory_space<vmem>> -> memref<8x1024xf32, #tpu.memory_space<vmem>>
        %dma_start3A_355 = arith.constant 0 : i32
        %dma_start3A_356 = tpu.memref_slice %arg3[%add3A_350, %dma_start3A_355] : memref<8192x1024xf32, #tpu.memory_space<hbm>> -> memref<8x1024xf32, #tpu.memory_space<hbm>>
        %dma_start3A_357 = arith.constant 0 : i32
        %dma_start3A_358 = arith.constant 0 : i32
        %dma_start3A_359 = tpu.memref_slice %arg6[%select_n3A_236, %dma_start3A_357, %dma_start3A_358] : memref<2x8x1024xf32, #tpu.memory_space<vmem>> -> memref<1x8x1024xf32, #tpu.memory_space<vmem>>
        %dma_start3A_360 = tpu.memref_squeeze %dma_start3A_359 : memref<1x8x1024xf32, #tpu.memory_space<vmem>> -> memref<8x1024xf32, #tpu.memory_space<vmem>>
        %dma_start3A_361 = arith.constant 0 : i32
        %dma_start3A_362 = tpu.memref_slice %arg3[%add3A_350, %dma_start3A_361] : memref<8192x1024xf32, #tpu.memory_space<hbm>> -> memref<8x1024xf32, #tpu.memory_space<hbm>>
        tpu.enqueue_dma source(%dma_start3A_362 : memref<8x1024xf32, #tpu.memory_space<hbm>>) target(%dma_start3A_360 : memref<8x1024xf32, #tpu.memory_space<vmem>>) target_semaphore(%arg8 : memref<!tpu.dma_semaphore, #tpu.memory_space<semaphore_mem>>)
      } else {
      }
      %jit3A_304 = arith.constant 4 : i32
      %div3A_305 = arith.divsi %scan3A_173, %jit3A_304 : i32
      %sign3A_306 = arith.constant 0 : i32
      %sign3A_307 = arith.cmpi sgt, %scan3A_173, %sign3A_306 : i32
      %sign3A_308 = arith.extui %sign3A_307 : i1 to i32
      %sign3A_309 = arith.constant 0 : i32
      %sign3A_310 = arith.cmpi slt, %scan3A_173, %sign3A_309 : i32
      %sign3A_311 = arith.extui %sign3A_310 : i1 to i32
      %sign3A_312 = arith.subi %sign3A_308, %sign3A_311 : i32
      %sign3A_313 = arith.constant 0 : i32
      %sign3A_314 = arith.cmpi sgt, %jit3A_304, %sign3A_313 : i32
      %sign3A_315 = arith.extui %sign3A_314 : i1 to i32
      %sign3A_316 = arith.constant 0 : i32
      %sign3A_317 = arith.cmpi slt, %jit3A_304, %sign3A_316 : i32
      %sign3A_318 = arith.extui %sign3A_317 : i1 to i32
      %sign3A_319 = arith.subi %sign3A_315, %sign3A_318 : i32
      %ne3A_320 = arith.cmpi ne, %sign3A_312, %sign3A_319 : i32
      %rem3A_321 = arith.remsi %scan3A_173, %jit3A_304 : i32
      %ne3A_322 = arith.constant 0 : i32
      %ne3A_323 = arith.cmpi ne, %rem3A_321, %ne3A_322 : i32
      %and3A_324 = arith.andi %ne3A_320, %ne3A_323 : i1
      %sub3A_325 = arith.constant 1 : i32
      %sub3A_326 = arith.subi %div3A_305, %sub3A_325 : i32
      %select_n3A_327 = arith.select %and3A_324, %sub3A_326, %div3A_305 : i32
      %mul3A_328 = arith.constant 8 : i32
      %mul3A_329 = arith.muli %select_n3A_327, %mul3A_328 : i32
      %add3A_330 = arith.addi %mul3A_2, %mul3A_329 : i32
      %dma_start3A_331 = arith.constant 0 : i32
      %dma_start3A_332 = arith.constant 0 : i32
      %dma_start3A_333 = tpu.memref_slice %arg5[%select_n3A_220, %dma_start3A_331, %dma_start3A_332] : memref<8x8x1024xf32, #tpu.memory_space<vmem>> -> memref<1x8x1024xf32, #tpu.memory_space<vmem>>
      %dma_start3A_334 = tpu.memref_squeeze %dma_start3A_333 : memref<1x8x1024xf32, #tpu.memory_space<vmem>> -> memref<8x1024xf32, #tpu.memory_space<vmem>>
      %dma_start3A_335 = arith.constant 0 : i32
      %dma_start3A_336 = tpu.memref_slice %arg4[%select_n3A_204, %add3A_330, %dma_start3A_335] : memref<4x8192x1024xf32, #tpu.memory_space<hbm>> -> memref<1x8x1024xf32, #tpu.memory_space<hbm>>
      %dma_start3A_337 = tpu.memref_squeeze %dma_start3A_336 : memref<1x8x1024xf32, #tpu.memory_space<hbm>> -> memref<8x1024xf32, #tpu.memory_space<hbm>>
      %dma_start3A_338 = arith.constant 0 : i32
      %dma_start3A_339 = tpu.memref_slice %arg4[%select_n3A_204, %add3A_330, %dma_start3A_338] : memref<4x8192x1024xf32, #tpu.memory_space<hbm>> -> memref<1x8x1024xf32, #tpu.memory_space<hbm>>
      %dma_start3A_340 = tpu.memref_squeeze %dma_start3A_339 : memref<1x8x1024xf32, #tpu.memory_space<hbm>> -> memref<8x1024xf32, #tpu.memory_space<hbm>>
      %dma_start3A_341 = arith.constant 0 : i32
      %dma_start3A_342 = arith.constant 0 : i32
      %dma_start3A_343 = tpu.memref_slice %arg5[%select_n3A_220, %dma_start3A_341, %dma_start3A_342] : memref<8x8x1024xf32, #tpu.memory_space<vmem>> -> memref<1x8x1024xf32, #tpu.memory_space<vmem>>
      %dma_start3A_344 = tpu.memref_squeeze %dma_start3A_343 : memref<1x8x1024xf32, #tpu.memory_space<vmem>> -> memref<8x1024xf32, #tpu.memory_space<vmem>>
      tpu.enqueue_dma source(%dma_start3A_344 : memref<8x1024xf32, #tpu.memory_space<vmem>>) target(%dma_start3A_340 : memref<8x1024xf32, #tpu.memory_space<hbm>>) target_semaphore(%arg9 : memref<!tpu.dma_semaphore, #tpu.memory_space<semaphore_mem>>)
      %scan3A_345 = arith.constant 0 : i32
      scf.yield %scan3A_345 : i32
    }
    %scan3A_83 = arith.constant 128 : i32
    %add3A_84 = arith.constant 240 : i32
    %add3A_85 = arith.addi %mul3A_2, %add3A_84 : i32
    %dma_wait3A = arith.constant 3 : i32
    %dma_wait3A_86 = arith.constant 3 : i32
    %dma_wait3A_87 = arith.constant 0 : i32
    %dma_wait3A_88 = arith.constant 0 : i32
    %dma_wait3A_89 = tpu.memref_slice %arg5[%dma_wait3A, %dma_wait3A_87, %dma_wait3A_88] : memref<8x8x1024xf32, #tpu.memory_space<vmem>> -> memref<1x8x1024xf32, #tpu.memory_space<vmem>>
    %dma_wait3A_90 = tpu.memref_squeeze %dma_wait3A_89 : memref<1x8x1024xf32, #tpu.memory_space<vmem>> -> memref<8x1024xf32, #tpu.memory_space<vmem>>
    %dma_wait3A_91 = arith.constant 0 : i32
    %dma_wait3A_92 = tpu.memref_slice %arg4[%dma_wait3A_86, %add3A_85, %dma_wait3A_91] : memref<4x8192x1024xf32, #tpu.memory_space<hbm>> -> memref<1x8x1024xf32, #tpu.memory_space<hbm>>
    %dma_wait3A_93 = tpu.memref_squeeze %dma_wait3A_92 : memref<1x8x1024xf32, #tpu.memory_space<hbm>> -> memref<8x1024xf32, #tpu.memory_space<hbm>>
    %dma_wait3A_94 = arith.constant 0 : i32
    %dma_wait3A_95 = tpu.memref_slice %arg4[%dma_wait3A_86, %add3A_85, %dma_wait3A_94] : memref<4x8192x1024xf32, #tpu.memory_space<hbm>> -> memref<1x8x1024xf32, #tpu.memory_space<hbm>>
    %dma_wait3A_96 = tpu.memref_squeeze %dma_wait3A_95 : memref<1x8x1024xf32, #tpu.memory_space<hbm>> -> memref<8x1024xf32, #tpu.memory_space<hbm>>
    %dma_wait3A_97 = arith.constant 0 : i32
    %dma_wait3A_98 = arith.constant 0 : i32
    %dma_wait3A_99 = tpu.memref_slice %arg5[%dma_wait3A, %dma_wait3A_97, %dma_wait3A_98] : memref<8x8x1024xf32, #tpu.memory_space<vmem>> -> memref<1x8x1024xf32, #tpu.memory_space<vmem>>
    %dma_wait3A_100 = tpu.memref_squeeze %dma_wait3A_99 : memref<1x8x1024xf32, #tpu.memory_space<vmem>> -> memref<8x1024xf32, #tpu.memory_space<vmem>>
    tpu.wait_dma2 semaphore(%arg9 : memref<!tpu.dma_semaphore, #tpu.memory_space<semaphore_mem>>) src(%dma_wait3A_100 : memref<8x1024xf32, #tpu.memory_space<vmem>>) dst(%dma_wait3A_96 : memref<8x1024xf32, #tpu.memory_space<hbm>>)
    %add3A_101 = arith.constant 248 : i32
    %add3A_102 = arith.addi %mul3A_2, %add3A_101 : i32
    %dma_wait3A_103 = arith.constant 4 : i32
    %dma_wait3A_104 = arith.constant 0 : i32
    %dma_wait3A_105 = arith.constant 0 : i32
    %dma_wait3A_106 = arith.constant 0 : i32
    %dma_wait3A_107 = tpu.memref_slice %arg5[%dma_wait3A_103, %dma_wait3A_105, %dma_wait3A_106] : memref<8x8x1024xf32, #tpu.memory_space<vmem>> -> memref<1x8x1024xf32, #tpu.memory_space<vmem>>
    %dma_wait3A_108 = tpu.memref_squeeze %dma_wait3A_107 : memref<1x8x1024xf32, #tpu.memory_space<vmem>> -> memref<8x1024xf32, #tpu.memory_space<vmem>>
    %dma_wait3A_109 = arith.constant 0 : i32
    %dma_wait3A_110 = tpu.memref_slice %arg4[%dma_wait3A_104, %add3A_102, %dma_wait3A_109] : memref<4x8192x1024xf32, #tpu.memory_space<hbm>> -> memref<1x8x1024xf32, #tpu.memory_space<hbm>>
    %dma_wait3A_111 = tpu.memref_squeeze %dma_wait3A_110 : memref<1x8x1024xf32, #tpu.memory_space<hbm>> -> memref<8x1024xf32, #tpu.memory_space<hbm>>
    %dma_wait3A_112 = arith.constant 0 : i32
    %dma_wait3A_113 = tpu.memref_slice %arg4[%dma_wait3A_104, %add3A_102, %dma_wait3A_112] : memref<4x8192x1024xf32, #tpu.memory_space<hbm>> -> memref<1x8x1024xf32, #tpu.memory_space<hbm>>
    %dma_wait3A_114 = tpu.memref_squeeze %dma_wait3A_113 : memref<1x8x1024xf32, #tpu.memory_space<hbm>> -> memref<8x1024xf32, #tpu.memory_space<hbm>>
    %dma_wait3A_115 = arith.constant 0 : i32
    %dma_wait3A_116 = arith.constant 0 : i32
    %dma_wait3A_117 = tpu.memref_slice %arg5[%dma_wait3A_103, %dma_wait3A_115, %dma_wait3A_116] : memref<8x8x1024xf32, #tpu.memory_space<vmem>> -> memref<1x8x1024xf32, #tpu.memory_space<vmem>>
    %dma_wait3A_118 = tpu.memref_squeeze %dma_wait3A_117 : memref<1x8x1024xf32, #tpu.memory_space<vmem>> -> memref<8x1024xf32, #tpu.memory_space<vmem>>
    tpu.wait_dma2 semaphore(%arg9 : memref<!tpu.dma_semaphore, #tpu.memory_space<semaphore_mem>>) src(%dma_wait3A_118 : memref<8x1024xf32, #tpu.memory_space<vmem>>) dst(%dma_wait3A_114 : memref<8x1024xf32, #tpu.memory_space<hbm>>)
    %add3A_119 = arith.constant 248 : i32
    %add3A_120 = arith.addi %mul3A_2, %add3A_119 : i32
    %dma_wait3A_121 = arith.constant 5 : i32
    %dma_wait3A_122 = arith.constant 1 : i32
    %dma_wait3A_123 = arith.constant 0 : i32
    %dma_wait3A_124 = arith.constant 0 : i32
    %dma_wait3A_125 = tpu.memref_slice %arg5[%dma_wait3A_121, %dma_wait3A_123, %dma_wait3A_124] : memref<8x8x1024xf32, #tpu.memory_space<vmem>> -> memref<1x8x1024xf32, #tpu.memory_space<vmem>>
    %dma_wait3A_126 = tpu.memref_squeeze %dma_wait3A_125 : memref<1x8x1024xf32, #tpu.memory_space<vmem>> -> memref<8x1024xf32, #tpu.memory_space<vmem>>
    %dma_wait3A_127 = arith.constant 0 : i32
    %dma_wait3A_128 = tpu.memref_slice %arg4[%dma_wait3A_122, %add3A_120, %dma_wait3A_127] : memref<4x8192x1024xf32, #tpu.memory_space<hbm>> -> memref<1x8x1024xf32, #tpu.memory_space<hbm>>
    %dma_wait3A_129 = tpu.memref_squeeze %dma_wait3A_128 : memref<1x8x1024xf32, #tpu.memory_space<hbm>> -> memref<8x1024xf32, #tpu.memory_space<hbm>>
    %dma_wait3A_130 = arith.constant 0 : i32
    %dma_wait3A_131 = tpu.memref_slice %arg4[%dma_wait3A_122, %add3A_120, %dma_wait3A_130] : memref<4x8192x1024xf32, #tpu.memory_space<hbm>> -> memref<1x8x1024xf32, #tpu.memory_space<hbm>>
    %dma_wait3A_132 = tpu.memref_squeeze %dma_wait3A_131 : memref<1x8x1024xf32, #tpu.memory_space<hbm>> -> memref<8x1024xf32, #tpu.memory_space<hbm>>
    %dma_wait3A_133 = arith.constant 0 : i32
    %dma_wait3A_134 = arith.constant 0 : i32
    %dma_wait3A_135 = tpu.memref_slice %arg5[%dma_wait3A_121, %dma_wait3A_133, %dma_wait3A_134] : memref<8x8x1024xf32, #tpu.memory_space<vmem>> -> memref<1x8x1024xf32, #tpu.memory_space<vmem>>
    %dma_wait3A_136 = tpu.memref_squeeze %dma_wait3A_135 : memref<1x8x1024xf32, #tpu.memory_space<vmem>> -> memref<8x1024xf32, #tpu.memory_space<vmem>>
    tpu.wait_dma2 semaphore(%arg9 : memref<!tpu.dma_semaphore, #tpu.memory_space<semaphore_mem>>) src(%dma_wait3A_136 : memref<8x1024xf32, #tpu.memory_space<vmem>>) dst(%dma_wait3A_132 : memref<8x1024xf32, #tpu.memory_space<hbm>>)
    %add3A_137 = arith.constant 248 : i32
    %add3A_138 = arith.addi %mul3A_2, %add3A_137 : i32
    %dma_wait3A_139 = arith.constant 6 : i32
    %dma_wait3A_140 = arith.constant 2 : i32
    %dma_wait3A_141 = arith.constant 0 : i32
    %dma_wait3A_142 = arith.constant 0 : i32
    %dma_wait3A_143 = tpu.memref_slice %arg5[%dma_wait3A_139, %dma_wait3A_141, %dma_wait3A_142] : memref<8x8x1024xf32, #tpu.memory_space<vmem>> -> memref<1x8x1024xf32, #tpu.memory_space<vmem>>
    %dma_wait3A_144 = tpu.memref_squeeze %dma_wait3A_143 : memref<1x8x1024xf32, #tpu.memory_space<vmem>> -> memref<8x1024xf32, #tpu.memory_space<vmem>>
    %dma_wait3A_145 = arith.constant 0 : i32
    %dma_wait3A_146 = tpu.memref_slice %arg4[%dma_wait3A_140, %add3A_138, %dma_wait3A_145] : memref<4x8192x1024xf32, #tpu.memory_space<hbm>> -> memref<1x8x1024xf32, #tpu.memory_space<hbm>>
    %dma_wait3A_147 = tpu.memref_squeeze %dma_wait3A_146 : memref<1x8x1024xf32, #tpu.memory_space<hbm>> -> memref<8x1024xf32, #tpu.memory_space<hbm>>
    %dma_wait3A_148 = arith.constant 0 : i32
    %dma_wait3A_149 = tpu.memref_slice %arg4[%dma_wait3A_140, %add3A_138, %dma_wait3A_148] : memref<4x8192x1024xf32, #tpu.memory_space<hbm>> -> memref<1x8x1024xf32, #tpu.memory_space<hbm>>
    %dma_wait3A_150 = tpu.memref_squeeze %dma_wait3A_149 : memref<1x8x1024xf32, #tpu.memory_space<hbm>> -> memref<8x1024xf32, #tpu.memory_space<hbm>>
    %dma_wait3A_151 = arith.constant 0 : i32
    %dma_wait3A_152 = arith.constant 0 : i32
    %dma_wait3A_153 = tpu.memref_slice %arg5[%dma_wait3A_139, %dma_wait3A_151, %dma_wait3A_152] : memref<8x8x1024xf32, #tpu.memory_space<vmem>> -> memref<1x8x1024xf32, #tpu.memory_space<vmem>>
    %dma_wait3A_154 = tpu.memref_squeeze %dma_wait3A_153 : memref<1x8x1024xf32, #tpu.memory_space<vmem>> -> memref<8x1024xf32, #tpu.memory_space<vmem>>
    tpu.wait_dma2 semaphore(%arg9 : memref<!tpu.dma_semaphore, #tpu.memory_space<semaphore_mem>>) src(%dma_wait3A_154 : memref<8x1024xf32, #tpu.memory_space<vmem>>) dst(%dma_wait3A_150 : memref<8x1024xf32, #tpu.memory_space<hbm>>)
    %add3A_155 = arith.constant 248 : i32
    %add3A_156 = arith.addi %mul3A_2, %add3A_155 : i32
    %dma_wait3A_157 = arith.constant 7 : i32
    %dma_wait3A_158 = arith.constant 3 : i32
    %dma_wait3A_159 = arith.constant 0 : i32
    %dma_wait3A_160 = arith.constant 0 : i32
    %dma_wait3A_161 = tpu.memref_slice %arg5[%dma_wait3A_157, %dma_wait3A_159, %dma_wait3A_160] : memref<8x8x1024xf32, #tpu.memory_space<vmem>> -> memref<1x8x1024xf32, #tpu.memory_space<vmem>>
    %dma_wait3A_162 = tpu.memref_squeeze %dma_wait3A_161 : memref<1x8x1024xf32, #tpu.memory_space<vmem>> -> memref<8x1024xf32, #tpu.memory_space<vmem>>
    %dma_wait3A_163 = arith.constant 0 : i32
    %dma_wait3A_164 = tpu.memref_slice %arg4[%dma_wait3A_158, %add3A_156, %dma_wait3A_163] : memref<4x8192x1024xf32, #tpu.memory_space<hbm>> -> memref<1x8x1024xf32, #tpu.memory_space<hbm>>
    %dma_wait3A_165 = tpu.memref_squeeze %dma_wait3A_164 : memref<1x8x1024xf32, #tpu.memory_space<hbm>> -> memref<8x1024xf32, #tpu.memory_space<hbm>>
    %dma_wait3A_166 = arith.constant 0 : i32
    %dma_wait3A_167 = tpu.memref_slice %arg4[%dma_wait3A_158, %add3A_156, %dma_wait3A_166] : memref<4x8192x1024xf32, #tpu.memory_space<hbm>> -> memref<1x8x1024xf32, #tpu.memory_space<hbm>>
    %dma_wait3A_168 = tpu.memref_squeeze %dma_wait3A_167 : memref<1x8x1024xf32, #tpu.memory_space<hbm>> -> memref<8x1024xf32, #tpu.memory_space<hbm>>
    %dma_wait3A_169 = arith.constant 0 : i32
    %dma_wait3A_170 = arith.constant 0 : i32
    %dma_wait3A_171 = tpu.memref_slice %arg5[%dma_wait3A_157, %dma_wait3A_169, %dma_wait3A_170] : memref<8x8x1024xf32, #tpu.memory_space<vmem>> -> memref<1x8x1024xf32, #tpu.memory_space<vmem>>
    %dma_wait3A_172 = tpu.memref_squeeze %dma_wait3A_171 : memref<1x8x1024xf32, #tpu.memory_space<vmem>> -> memref<8x1024xf32, #tpu.memory_space<vmem>>
    tpu.wait_dma2 semaphore(%arg9 : memref<!tpu.dma_semaphore, #tpu.memory_space<semaphore_mem>>) src(%dma_wait3A_172 : memref<8x1024xf32, #tpu.memory_space<vmem>>) dst(%dma_wait3A_168 : memref<8x1024xf32, #tpu.memory_space<hbm>>)
    return
  }
}

</mosaic_0001>

<sc_bundles>
// kernel: kernel.3.cloned.1.call-start
scs
__scs_entry_jumppad:
0x0: {  	(pc) =	sbr.rel $0x88, $3  }
0x1: {  	(tag) =	ssettag $0x0;
	lr =	simm.s32 $0x1  }
0x2: {  	[smem:$0x3F9F] =	sst lr;
	_ =	strace $0xD0000000  }
0x3: {  	_ = 	snop  }
0x4: {  	_ = 	snop  }
0x5: {  	_ = 	snop  }
0x6: {  	_ = 	snop  }
0x7: {  	_ = 	snop  }
__scs_overlays_trampoline_lowered:
0x8: {  	[smem:$0x3FAE] =	sst s0  }
0x9: {  	[smem:$0x3FAF] =	sst s1  }
0xa: {  	[smem:$0x3FB0] =	sst s2  }
0xb: {  	[smem:$0x3FB1] =	sst s3  }
0xc: {  	[smem:$0x3FB2] =	sst s4  }
0xd: {  	[smem:$0x3FB3] =	sst s5  }
0xe: {  	[smem:$0x3FB4] =	sst s6  }
0xf: {  	[smem:$0x3FB5] =	sst s7  }
0x10: {  	[smem:$0x3FB6] =	sst s8  }
0x11: {  	[smem:$0x3FB7] =	sst s9;
	s0 =	simm.s32 @!p0 $0x0  }
0x12: {  	s1 =	sld [smem:$0x3F9D];
	s0 =	simm.s32 @p0 $0x1  }
0x13: {  	[smem:$0x3FB8] =	sst s0;
	s0 =	simm.s32 @!p1 $0x0  }
0x14: {  	s2 =	sld [smem:$0x3F9C];
	s0 =	simm.s32 @p1 $0x1  }
0x15: {  	[smem:$0x3FB9] =	sst s0;
	s0 =	simm.s32 @!p2 $0x0  }
0x16: {  	s3 =	sld [smem:$0x3FDB];
	s0 =	simm.s32 @p2 $0x1  }
0x17: {  	s4 =	simm.s32 $0x1BF5;
	[smem:$0x3FBB] =	sst s0  }
0x18: {  	s0 =	sld [smem:$0x3F9E];
	_ =	swait.ge [sflag:s4], $0x0  }
0x19: {  	s7 =	sld [smem:$0x3F9F]  }
0x1a: {  	s8 =	sadd.s32 $0xFFFFE003, lr  }
0x1b: {  	s9 =	sadd.s32 $0xFFFFFEF7, lr;
	s5 =	simm.s32 $0xFFFFFFFF;
	p2 =	slt.u32 s8, $0xFFFFF086  }
0x1c: {  	p1 =	slt.u32 s9, $0xF7A;
	s5 =	simm.s32 @!p2 $0x0  }
0x1d: {  	s5 =	simm.s32 @p1 $0x1;
	p0 =	seq.s32 s7, s2  }
0x1e: {  	s7 =	smul.u32 @!p0 $0xF7A, s2;
	p2 =	seq.s32 @!p0 s5, $0x0  }
0x1f: {  	s9 =	smul.u32 $0xF7A, s1;
	s8 =	simm.s32 @!p0 $0x1BF5;
	p2 =	por !p2, p0  }
0x20: {  	[sflag:s8] =	ssyncset.s32 @!p0 $0xFFFFF086;
	s6 =	sadd.s32 @!p0 s3, s7;
	s7 =	simm.s32 @!p0 $0x108  }
0x21: {  	s3 =	sadd.s32 s3, s9;
	s6 =	sadd.s32 @!p0 $0x88, s6;
	s7 =	simm.s32 @p2 $0x1082  }
0x22: {  	[simem:s7], [sflag:s8] =	dma.local @!p0 [hbm:s6], $0xF7A  }
0x23: {  	s9 =	sor.u32 $0xD0000000, s2;
	s6 =	simm.s32 $0x108;
	_ =	swait.ge @!p0 [sflag:s8], $0x0  }
0x24: {  	s3 =	sadd.s32 $0x88, s3;
	s6 =	simm.s32 @!p1 $0x1082;
	[sflag:s4] =	ssyncset.s32 $0xFFFFF086  }
0x25: {  	[simem:s6], [sflag:s4] =	dma.local [hbm:s3], $0xF7A  }
0x26: {  	[smem:$0x3F9F] =	sst s1;
	(tag) =	ssettag s2;
	_ =	strace s9  }
0x27: {  	s1 =	sld [smem:$0x3FAF]  }
0x28: {  	s2 =	sld [smem:$0x3FB0]  }
0x29: {  	s4 =	sld [smem:$0x3FB2]  }
0x2a: {  	p0 =	seq.s32 s5, $0x0;
	s5 =	sld [smem:$0x3FB3]  }
0x2b: {  	s6 =	sld [smem:$0x3FB4]  }
0x2c: {  	s7 =	sld [smem:$0x3FB5]  }
0x2d: {  	s3 =	simm.s32 $0x108;
	s8 =	sld [smem:$0x3FB6]  }
0x2e: {  	s3 =	simm.s32 @!p0 $0x1082;
	s9 =	sld [smem:$0x3FB7]  }
0x2f: {  	lr =	sadd.s32 s0, s3;
	s0 =	sld [smem:$0x3FAE]  }
0x30: {  	s3 =	sld [smem:$0x3FB1]  }
0x31: {  	[smem:$0x3FBA] =	sst s10  }
0x32: {  	s10 =	sld [smem:$0x3FB8];
	_ =	sdelay $0x3  }
0x33: {  	p0 =	seq.s32 s10, $0x1;
	s10 =	sld [smem:$0x3FBA];
	_ =	sdelay $0x3  }
0x34: {  	[smem:$0x3FBA] =	sst s10  }
0x35: {  	s10 =	sld [smem:$0x3FB9];
	_ =	sdelay $0x3  }
0x36: {  	p1 =	seq.s32 s10, $0x1;
	s10 =	sld [smem:$0x3FBA];
	_ =	sdelay $0x3  }
0x37: {  	[smem:$0x3FBA] =	sst s10  }
0x38: {  	s10 =	sld [smem:$0x3FBB]  }
0x39: {  	_ = 	snop;
	(pc) =	sbr.ind lr, $3  }
0x3a: {  	_ = 	snop  }
0x3b: {  	_ = 	snop  }
0x3c: {  	p2 =	seq.s32 s10, $0x1;
	s10 =	sld [smem:$0x3FBA]  }
0x3d: {  	_ =	shalt  }
0x3e: {  	_ =	shalt  }
0x3f: {  	_ =	shalt  }
0x40: {  	_ =	shalt  }
0x41: {  	_ =	shalt  }
0x42: {  	_ =	shalt  }
0x43: {  	_ =	shalt  }
0x44: {  	_ =	shalt  }
0x45: {  	_ =	shalt  }
0x46: {  	_ =	shalt  }
0x47: {  	_ =	shalt  }
0x48: {  	_ =	shalt  }
0x49: {  	_ =	shalt  }
0x4a: {  	_ =	shalt  }
0x4b: {  	_ =	shalt  }
0x4c: {  	_ =	shalt  }
0x4d: {  	_ =	shalt  }
0x4e: {  	_ =	shalt  }
0x4f: {  	_ =	shalt  }
0x50: {  	_ =	shalt  }
0x51: {  	_ =	shalt  }
0x52: {  	_ =	shalt  }
0x53: {  	_ =	shalt  }
0x54: {  	_ =	shalt  }
0x55: {  	_ =	shalt  }
0x56: {  	_ =	shalt  }
0x57: {  	_ =	shalt  }
0x58: {  	_ =	shalt  }
0x59: {  	_ =	shalt  }
0x5a: {  	_ =	shalt  }
0x5b: {  	_ =	shalt  }
0x5c: {  	_ =	shalt  }
0x5d: {  	_ =	shalt  }
0x5e: {  	_ =	shalt  }
0x5f: {  	_ =	shalt  }
0x60: {  	_ =	shalt  }
0x61: {  	_ =	shalt  }
0x62: {  	_ =	shalt  }
0x63: {  	_ =	shalt  }
0x64: {  	_ =	shalt  }
0x65: {  	_ =	shalt  }
0x66: {  	_ =	shalt  }
0x67: {  	_ =	shalt  }
0x68: {  	_ =	shalt  }
0x69: {  	_ =	shalt  }
0x6a: {  	_ =	shalt  }
0x6b: {  	_ =	shalt  }
0x6c: {  	_ =	shalt  }
0x6d: {  	_ =	shalt  }
0x6e: {  	_ =	shalt  }
0x6f: {  	_ =	shalt  }
0x70: {  	_ =	shalt  }
0x71: {  	_ =	shalt  }
0x72: {  	_ =	shalt  }
0x73: {  	_ =	shalt  }
0x74: {  	_ =	shalt  }
0x75: {  	_ =	shalt  }
0x76: {  	_ =	shalt  }
0x77: {  	_ =	shalt  }
0x78: {  	_ =	shalt  }
0x79: {  	_ =	shalt  }
0x7a: {  	_ =	shalt  }
0x7b: {  	_ =	shalt  }
0x7c: {  	_ =	shalt  }
0x7d: {  	_ =	shalt  }
0x7e: {  	_ =	shalt  }
0x7f: {  	_ =	shalt  }
0x80: {  	_ =	shalt  }
0x81: {  	_ =	shalt  }
0x82: {  	_ =	shalt  }
0x83: {  	_ =	shalt  }
0x84: {  	_ =	shalt  }
0x85: {  	_ =	shalt  }
0x86: {  	_ =	shalt  }
0x87: {  	_ =	shalt  }
.Lfunc_end0:
.L_simem_size_0:
called_computation_lowered:
.L_overlay_start_0:
0x88: {  	s2 =	sld [smem:$0x3FD9]  }
0x89: {  	s3 =	sld [smem:$0x3FFE];
	_ =	sdelay $0x1  }
0x8a: {  	s1 =	srdreg.scid  }
0x8b: {  	s0 =	sand.u32 $0x1, s1  }
0x8c: {  	s18 =	sshll.u32 s0, $0xA;
	s2 =	sadd.s32 s3, s2  }
0x8d: {  	s2 =	sadd.s32 s2, s18  }
0x8e: {  	[smem:$0x3FC6] =	sst s2  }
0x8f: {  	_ = 	snop  }
0x90: {  	s2 =	sld [smem:$0x3FC9]  }
0x91: {  	s19 =	sld [smem:$0x3FC8]  }
0x92: {  	s4 =	sld [smem:$0x3FD0];
	(tm) =	ssettm $0x1  }
0x93: {  	s5 =	sld [smem:$0x3FFB];
	_ =	sdelay $0x3  }
0x94: {  	_ =	strace s5  }
0x95: {  	s5 =	sld [smem:$0x3FFC];
	_ =	sdelay $0x3  }
0x96: {  	_ =	strace s5  }
0x97: {  	s5 =	sld [smem:$0x3FFD];
	_ =	sdelay $0x3  }
0x98: {  	_ =	strace s5  }
0x99: {  	_ =	strace $0x8FFFFFFF  }
0x9a: {  	s20 =	sld [smem:$0x3FDB];
	_ =	sdelay $0x1  }
0x9b: {  	s6 =	simm.s32 $_scs_section_size  }
0x9c: {  	s7 =	simm.s32 $_size__tile_overlayer_lowered;
	s8 =	simm.s32 $_tile_overlayer_lowered  }
0x9d: {  	s23 =	simm.s32 $0x1BFF;
	s22 =	sshll.u32 s8, $0x1;
	s5 =	sadd.s32 s6, s20  }
0x9e: {  	s9 =	simm.s32 $0x0;
	s21 =	sshll.u32 s7, $0x1;
	s7 =	sadd.s32 s22, s5  }
0x9f: {  	[timem:s9], [sflag:s23] =	dma.local [hbm:s7], s21  }
0xa0: {  	_ =	swait.ge [sflag:s23], s21  }
0xa1: {  	s6 =	ssub.s32 $0x0, s21;
	[sflag:s23] =	ssyncset.done $0x0  }
0xa2: {  	[sflag:s23] =	ssyncadd.s32 s6;
	_ =	sdelay $0x1  }
0xa3: {  	s24 =	simm.s32 $0x1B8B  }
0xa4: {  	_ =	swait.ge [sflag:s24], $0x1  }
0xa5: {  	[sflag:s24] =	ssyncset.done $0x0  }
0xa6: {  	s25 =	simm.s32 $0x1B8E;
	[sflag:s24] =	ssyncadd.s32 $0xFFFFFFFF  }
0xa7: {  	s26 =	simm.s32 $execute0_lowered;
	[smem:$0x3FD2] =	sst s25  }
0xa8: {  	s6 =	sshll.u32 s26, $0x1;
	_ =	strace $0x80000046;
	[dreg:$0x1] =	wrdreg $0xFFFFFFFF  }
0xa9: {  	s28 =	simm.s32 $_size_execute0_lowered;
	s5 =	sadd.s32 s5, s6;
	[dreg:$0x0] =	wrdreg $0x0  }
0xaa: {  	s6 =	sshll.u32 s28, $0x1;
	[dreg:$0x2] =	wrdreg s5  }
0xab: {  	[dreg:$0x3] =	wrdreg s6  }
0xac: {  	[dreg:$0x4] =	wrdreg $0xC0  }
0xad: {  	_ =	task [dreg:s9], $0x5FFFF  }
0xae: {  	[dreg:$0x1] =	wrdreg $0xFFFFFFFF  }
0xaf: {  	[dreg:$0x0] =	wrdreg $0x60  }
0xb0: {  	[dreg:$0x2] =	wrdreg s2  }
0xb1: {  	[dreg:$0x3] =	wrdreg s19  }
0xb2: {  	[dreg:$0x4] =	wrdreg s4  }
0xb3: {  	[dreg:$0x5] =	wrdreg $0x9  }
0xb4: {  	_ =	task.clear_ibuf [dreg:s9], $0x6FFFF;
	_ =	strace $0x90000046  }
0xb5: {  	s29 =	simm.s32 $0x9;
	_ =	strace $0x80000048  }
0xb6: {  	_ =	swait.ge [sflag:s29], $0x1  }
0xb7: {  	[sflag:s29] =	ssyncadd.s32 $0xFFFFFFFF  }
0xb8: {  	_ =	strace $0x90000048  }
0xb9: {  	_ =	sfence  }
0xba: {  	s30 =	sld [smem:$0x0];
	_ =	sdelay $0x2  }
0xbb: {  	s31 =	sshll.u32 s1, $0xD;
	s1 =	sshrl.u32 s1, $0x2  }
0xbc: {  	s3 =	sand.u32 $0x4000, s31;
	s1 =	sadd.s32 s1, s30  }
0xbd: {  	s0 =	sor.u32 s3, s0;
	s1 =	sshll.u32 s1, $0x11  }
0xbe: {  	s0 =	sor.u32 s1, s0  }
0xbf: {  	s0 =	sadd.s32 $0x8F2B, s0  }
0xc0: {  	[sflag:s0] =	ssyncadd.remote.s32 $0x1  }
0xc1: {  	_ =	sfence.sel $0xFFFF  }
0xc2: {  	[dreg:$0x0] =	wrdreg $0xFFFFFFFF;
	(pc) =	sbr.abs _section_cstart, $3  }
0xc3: {  	[dreg:$0x1] =	wrdreg $0xFFFFFFFF  }
0xc4: {  	_ =	task.clear_ibuf [dreg:s9], $0x2FFFF;
	_ =	strace $0x9FFFFFFF  }
0xc5: {  	(tm) =	ssettm $0x7FFFFFFF  }
tec
execute0_lowered:
.L_overlay_start_1:
0x0: {  	(tag) =	ssettag $0x1  }
0x1: {  	s1 =	rddreg [dreg:$0x0];
	s2 =	srdreg.scid  }
0x2: {  	s5 =	rddreg [dreg:$0x1];
	s0 =	stileid.u32  }
0x3: {  	s3 =	rddreg [dreg:$0x2];
	s4 =	simm.s32 $0x0;
	s13 =	simm.s32 $0x10000  }
0x4: {  	s14 =	simm.s32 $0x12000;
	s15 =	simm.s32 $0x2000;
	s16 =	simm.s32 $0x4000  }
0x5: {  	s17 =	simm.s32 $0x1;
	s18 =	simm.s32 $0x3;
	s6 =	sand.u32 $0x1, s2  }
0x6: {  	s19 =	simm.s32 $0x0;
	s7 =	sshll.u32 s0, $0x9;
	s8 =	sshll.u32 s6, $0x8  }
0x7: {  	[smem:$0x7FF] =	sst s4;
	s6 =	ssub.s32 $0x2, s6;
	s10 =	sor.u32 s8, s7  }
0x8: {  	_ =	strace $0x80000047;
	s31 =	sshrl.u32 s6, $0x1;
	s7 =	sshll.u32 s10, $0x7  }
0x9: {  	s11 =	ssub.s32 s6, s31;
	s10 =	sshrl.u32 s10, $0x3;
	s5 =	sadd.s32 s5, s7  }
0xa: {  	s7 =	sadd.s32 s1, s7;
	s11 =	smax.u32 s11, $0x1;
	s6 =	sadd.s32 $0x400, s5  }
0xb: {  	s8 =	sadd.s32 $0x100000, s7;
	s9 =	sadd.s32 $0x200000, s7;
	s12 =	sadd.s32 $0x800, s5  }
.LBB2_1:
0xc: {  	[tilespmem:s13], [sflag:$0x2] =	stream.linear.gather [hbm4b:s5+s4], $0x2000, $0x38;
	[tilespmem:$0x14000] =	vst v63  }
0xd: {  	_ = 	snop  }
0xe: {  	[tilespmem:s14], [sflag:$0x2] =	stream.linear.gather [hbm4b:s6+s4], $0x2000, $0x38;
	[tilespmem:$0x14000] =	vst v63  }
0xf: {  	_ = 	snop  }
0x10: {  	[tilespmem:s4], [sflag:$0x1] =	stream.linear.gather [hbm4b:s7+s4], $0x2000, $0x38;
	[tilespmem:$0x14000] =	vst v63  }
0x11: {  	_ = 	snop  }
0x12: {  	[tilespmem:s15], [sflag:$0x1] =	stream.linear.gather [hbm4b:s8+s4], $0x2000, $0x38;
	[tilespmem:$0x14000] =	vst v63  }
0x13: {  	s20 =	simm.s32 $0x0  }
0x14: {  	[tilespmem:s16], [sflag:$0x1] =	stream.linear.gather [hbm4b:s9+s4], $0x2000, $0x38;
	[tilespmem:$0x14000] =	vst v63  }
.LBB2_2:
0x15: {  	p0 =	slt.u32 s20, $0x5  }
0x16: {  	s21 =	simm.s32 @!p0 $0x3  }
0x17: {  	p1 =	sgt.u32 @!p0 s20, $0x7C;
	_ =	swait.ge @!p0 [sflag:s21], $0x2000  }
0x18: {  	p1 =	por p0, !p1;
	[sflag:s21] =	ssyncset.done @!p0 $0x0  }
0x19: {  	[sflag:s21] =	ssyncadd.s32 @!p0 $0xFFFFE000;
	s21 =	sadd.s32 @p1 $0x3, s20  }
0x1a: {  	s22 =	sshll.u32 @p1 s21, $0x14;
	s23 =	sshrl.u32 @p1 s21, $0x2  }
0x1b: {  	s22 =	sand.u32 @p1 $0x300000, s22;
	s23 =	sadd.s32 @p1 s10, s23  }
0x1c: {  	s21 =	sshll.u32 @p1 s21, $0xD;
	s23 =	sshll.u32 @p1 s23, $0xA;
	s22 =	sadd.s32 @p1 s1, s22  }
0x1d: {  	s25 =	simm.s32 $0x0;
	s21 =	sand.u32 @p1 $0xE000, s21;
	s22 =	sadd.s32 @p1 s23, s22  }
0x1e: {  	[tilespmem:s21], [sflag:$0x1] =	stream.linear.gather @p1 [hbm4b:s22+s4], $0x2000, $0x38;
	[tilespmem:$0x14000] =	vst v63  }
0x1f: {  	s21 =	sshrl.u32 s20, $0x2;
	s22 =	sand.u32 $0x3, s20;
	_ =	swait.ge [sflag:s17], $0x2000  }
0x20: {  	p0 =	sne.s32 s22, $0x0;
	s30 =	sshll.u32 s21, $0xD;
	[sflag:s17] =	ssyncset.done $0x0  }
0x21: {  	s24 =	simm.s32 @!p0 $0x2;
	s23 =	sand.u32 $0x2000, s30;
	[sflag:s17] =	ssyncadd.s32 $0xFFFFE000  }
0x22: {  	s26 =	sand.u32 $0x1C00, s25;
	s23 =	sor.u32 $0x10000, s23;
	_ =	swait.ge @!p0 [sflag:s24], $0x2000  }
0x23: {  	s28 =	sand.u32 $0x380, s25;
	s29 =	sadd.s32 s26, s23;
	[sflag:s24] =	ssyncset.done @!p0 $0x0  }
0x24: {  	s29 =	sadd.s32 s28, s29;
	[sflag:s24] =	ssyncadd.s32 @!p0 $0xFFFFE000  }
0x25: {  	v0 =	vld [tilespmem:s29+$0x70]  }
0x26: {  	v3 =	vld [tilespmem:s29+$0x0]  }
0x27: {  	v4 =	vld [tilespmem:s29+$0x10]  }
0x28: {  	s31 =	sshll.u32 s20, $0xD;
	v5 =	vld [tilespmem:s29+$0x20]  }
0x29: {  	s24 =	sand.u32 $0xE000, s31;
	v6 =	vld [tilespmem:s29+$0x30]  }
0x2a: {  	s26 =	sadd.s32 s26, s24;
	v2 =	vld [tilespmem:s29+$0x40]  }
0x2b: {  	v1 =	vld [tilespmem:s29+$0x50];
	s26 =	sadd.s32 s28, s26  }
0x2c: {  	[tilespmem:s26+$0x70] =	vst.add.f32.msk $0xffff, v0  }
0x2d: {  	v0 =	vld [tilespmem:s29+$0x60]  }
0x2e: {  	[tilespmem:s26+$0x0] =	vst.add.f32.msk $0xffff, v3  }
0x2f: {  	[tilespmem:s26+$0x10] =	vst.add.f32.msk $0xffff, v4  }
0x30: {  	[tilespmem:s26+$0x20] =	vst.add.f32.msk $0xffff, v5  }
0x31: {  	s28 =	simm.s32 $0x0;
	[tilespmem:s26+$0x30] =	vst.add.f32.msk $0xffff, v6;
	s29 =	simm.s32 $0x400  }
.LBB2_3:
0x32: {  	s30 =	sand.u32 $0x1C00, s29;
	s28 =	sadd.s32 $0x8, s28;
	[tilespmem:s26+$0x40] =	vst.add.f32.msk $0xffff, v2;
	s25 =	sadd.s32 $0x10, s25  }
0x33: {  	s31 =	sand.u32 $0x380, s25;
	s2 =	sadd.s32 s30, s23;
	p0 =	slt.u32 s28, $0x1F8;
	[tilespmem:s26+$0x50] =	vst.add.f32.msk $0xffff, v1  }
0x34: {  	s2 =	sadd.s32 s31, s2;
	[tilespmem:s26+$0x60] =	vst.add.f32.msk $0xffff, v0  }
0x35: {  	v0 =	vld [tilespmem:s2+$0x70]  }
0x36: {  	v3 =	vld [tilespmem:s2+$0x0]  }
0x37: {  	v4 =	vld [tilespmem:s2+$0x10]  }
0x38: {  	s26 =	sadd.s32 s30, s24;
	v5 =	vld [tilespmem:s2+$0x20]  }
0x39: {  	s26 =	sadd.s32 s31, s26;
	v6 =	vld [tilespmem:s2+$0x30]  }
0x3a: {  	[tilespmem:s26+$0x70] =	vst.add.f32.msk $0xffff, v0  }
0x3b: {  	v2 =	vld [tilespmem:s2+$0x40]  }
0x3c: {  	v1 =	vld [tilespmem:s2+$0x50]  }
.Ltmp0:
0x3d: {  	v0 =	vld [tilespmem:s2+$0x60];
	(pc) =	sbr.rel @p0 .LBB2_3-.Ltmp0, $4  }
0x3e: {  	[tilespmem:s26+$0x0] =	vst.add.f32.msk $0xffff, v3  }
0x3f: {  	[tilespmem:s26+$0x10] =	vst.add.f32.msk $0xffff, v4  }
0x40: {  	[tilespmem:s26+$0x20] =	vst.add.f32.msk $0xffff, v5  }
0x41: {  	s29 =	sadd.s32 $0x400, s29;
	[tilespmem:s26+$0x30] =	vst.add.f32.msk $0xffff, v6  }
0x42: {  	p0 =	sgt.u32 s20, $0x77  }
0x43: {  	p1 =	sne.s32 @!p0 s22, $0x3  }
0x44: {  	[tilespmem:s26+$0x40] =	vst.add.f32.msk $0xffff, v2;
	p0 =	por p1, p0  }
0x45: {  	[tilespmem:s26+$0x50] =	vst.add.f32.msk $0xffff, v1;
	s2 =	sshll.u32 @!p0 s21, $0xA  }
0x46: {  	[tilespmem:s26+$0x60] =	vst.add.f32.msk $0xffff, v0;
	s20 =	sadd.s32 $0x1, s20;
	s25 =	simm.s32 @!p0 $0x0;
	s2 =	sadd.s32 @!p0 s12, s2  }
0x47: {  	[tilespmem:s23], [sflag:$0x2] =	stream.linear.gather @!p0 [hbm4b:s2+s25], $0x2000, $0x38;
	[tilespmem:$0x14000] =	vst v63  }
0x48: {  	p0 =	sne.s32 s20, $0x80  }
.Ltmp1:
0x49: {  	_ = 	snop;
	(pc) =	sbr.rel @p0 .LBB2_2-.Ltmp1, $4  }
0x4a: {  	s30 =	sshll.u32 s22, $0x14;
	s31 =	sadd.s32 s10, s21  }
0x4b: {  	s21 =	sshll.u32 s31, $0xA;
	s2 =	sadd.s32 s3, s30  }
0x4c: {  	s2 =	sadd.s32 s21, s2  }
0x4d: {  	[hbm4b:s2+s4] =	stream.linear.scatter [tilespmem:s24], [sflag:$0x3], $0x2000, $0x38;
	[tilespmem:$0x14000] =	vst v63  }
0x4e: {  	_ =	swait.ge [sflag:s18], $0x2000  }
0x4f: {  	[sflag:s18] =	ssyncset.done $0x0  }
0x50: {  	[sflag:s18] =	ssyncadd.s32 $0xFFFFE000  }
0x51: {  	_ =	swait.ge [sflag:s18], $0x2000  }
0x52: {  	[sflag:s18] =	ssyncset.done $0x0  }
0x53: {  	[sflag:s18] =	ssyncadd.s32 $0xFFFFE000  }
0x54: {  	_ =	swait.ge [sflag:s18], $0x2000  }
0x55: {  	[sflag:s18] =	ssyncset.done $0x0  }
0x56: {  	s19 =	sadd.s32 $0x1, s19;
	[sflag:s18] =	ssyncadd.s32 $0xFFFFE000  }
0x57: {  	p0 =	sne.s32 s19, s11;
	_ =	swait.ge [sflag:s18], $0x2000  }
.Ltmp2:
0x58: {  	[sflag:s18] =	ssyncset.done $0x0;
	(pc) =	sbr.rel @p0 .LBB2_1-.Ltmp2, $4  }
0x59: {  	[sflag:s18] =	ssyncadd.s32 $0xFFFFE000  }
0x5a: {  	_ =	swait.ge [sflag:s18], $0x2000  }
0x5b: {  	[sflag:s18] =	ssyncset.done $0x0  }
0x5c: {  	[sflag:s18] =	ssyncadd.s32 $0xFFFFE000  }
0x5d: {  	_ =	sfence.sel $0x180000  }
0x5e: {  	[bflag:$0x0] =	sbarrier.arrive $0xFFFF  }
0x5f: {  	_ =	strace $0x90000047  }
0x60: {  	[bflag:$0x2] =	sbarrier.arrive $0xFFFF  }
0x61: {  	p0 =	sne.s32 s0, $0x0;
	s0 =	rddreg [dreg:$0x3]  }
0x62: {  	s0 =	sadd.s32 @!p0 $0x100000, s0  }
0x63: {  	[sflag:s0] =	ssyncadd.tile.s32 @!p0 $0x1;
	_ =	shalt  }
.Lfunc_end2:
_tile_overlayer_lowered:
.L_overlay_start_2:
0x64: {  	(tag) =	ssettag $0x2  }
0x65: {  	s0 =	rddreg [dreg:$0x0];
	s2 =	stileid.u32  }
0x66: {  	s1 =	rddreg [dreg:$0x1];
	p0 =	sne.s32 s2, $0x0  }
0x67: {  	s3 =	rddreg [dreg:$0x2];
	[bflag:$0x3] =	sbarrier.arrive $0xFFFF;
	s2 =	simm.s32 @!p0 $0x1C04  }
0x68: {  	[timem:s3], [sflag:s2] =	dma.local @!p0 [hbm:s0], s1  }
0x69: {  	s0 =	simm.s32 @!p0 $0x4  }
0x6a: {  	_ =	swait.ge @!p0 [sflag:s0], s1  }
0x6b: {  	s1 =	ssub.s32 @!p0 $0x0, s1;
	[sflag:s0] =	ssyncset.done @!p0 $0x0  }
0x6c: {  	[sflag:s0] =	ssyncadd.s32 @!p0 s1  }
0x6d: {  	[bflag:$0x3] =	sbarrier.arrive $0xFFFF  }
0x6e: {  	_ =	shalt  }

</sc_bundles>
